<compile_context>
chip_gen: v7x
topology: tpu7x:2x2x1
jax: 0.10.2.dev20260603
libtpu: 0.0.44.dev20260713+nightly
codegen_flags: <defaults>
</compile_context>

<pallas_src>
import jax
import jax.numpy as jnp
from jax import lax
from jax.experimental import pallas as pl
from jax.experimental.pallas import tpu as pltpu
from jax.experimental.pallas import tpu_sc as plsc

_B = 4096
_D = 32
_L = 50
_S = 3 * _L
_NW = 32
_BPW = _B // _NW


def _sc_body(c1_hbm, c2_hbm, c3_hbm, table_hbm, out_hbm,
             c1_v, c2_v, c3_v, r0, r1, o0, o1,
             gsem0, gsem1, osem0, osem1):
    cid = lax.axis_index("c")
    sid = lax.axis_index("s")
    wid = sid * 2 + cid
    base = wid * _BPW

    pltpu.sync_copy(c1_hbm.at[pl.ds(base, _BPW)], c1_v)
    pltpu.sync_copy(c2_hbm.at[pl.ds(base, _BPW)], c2_v)
    pltpu.sync_copy(c3_hbm.at[pl.ds(base, _BPW)], c3_v)

    iota = lax.iota(jnp.int32, 16)

    def fire_gather(i, r, sem):
        pltpu.async_copy(table_hbm.at[c1_v.at[i]], r.at[pl.ds(0, _L)], sem)
        pltpu.async_copy(table_hbm.at[c2_v.at[i]], r.at[pl.ds(_L, _L)], sem)
        pltpu.async_copy(table_hbm.at[c3_v.at[i]], r.at[pl.ds(2 * _L, _L)], sem)

    def wait_gather(i, r, sem):
        pltpu.make_async_copy(table_hbm.at[c1_v.at[i]], r.at[pl.ds(0, _L)], sem).wait()
        pltpu.make_async_copy(table_hbm.at[c2_v.at[i]], r.at[pl.ds(_L, _L)], sem).wait()
        pltpu.make_async_copy(table_hbm.at[c3_v.at[i]], r.at[pl.ds(2 * _L, _L)], sem).wait()

    def transpose(r, o):
        def step(k, carry):
            for u in range(6):
                l = k * 6 + u
                v0 = r[l, pl.ds(0, 16)]
                v1 = r[l, pl.ds(16, 16)]
                lv = jnp.full((16,), 0, jnp.int32) + l
                plsc.store_scatter(o, [iota, lv], v0)
                plsc.store_scatter(o, [iota + 16, lv], v1)
            return carry
        lax.fori_loop(0, _S // 6, step, 0)

    fire_gather(0, r0, gsem0)
    fire_gather(1, r1, gsem1)

    def outer(j, carry):
        i0 = 2 * j
        for b, (r, o, gsem, osem) in enumerate(
                ((r0, o0, gsem0, osem0), (r1, o1, gsem1, osem1))):
            i = i0 + b

            wait_gather(i, r, gsem)

            @pl.when(i0 >= 2)
            def _():
                pltpu.make_async_copy(o, out_hbm.at[base + i - 2], osem).wait()

            transpose(r, o)
            pltpu.async_copy(o, out_hbm.at[base + i], osem)

            @pl.when(j < _BPW // 2 - 1)
            def _():
                fire_gather(i + 2, r, gsem)
        return carry

    lax.fori_loop(0, _BPW // 2, outer, 0)

    pltpu.make_async_copy(o0, out_hbm.at[base + _BPW - 2], osem0).wait()
    pltpu.make_async_copy(o1, out_hbm.at[base + _BPW - 1], osem1).wait()


def kernel(c1_idx, c2_idx, c3_idx, table):
    c1 = c1_idx.astype(jnp.int32)
    c2 = c2_idx.astype(jnp.int32)
    c3 = c3_idx.astype(jnp.int32)
    mesh = plsc.VectorSubcoreMesh(core_axis_name="c", subcore_axis_name="s")
    run = pl.kernel(
        _sc_body,
        mesh=mesh,
        compiler_params=pltpu.CompilerParams(use_tc_tiling_on_sc=False,
                                              needs_layout_passes=False),
        out_type=jax.ShapeDtypeStruct((_B, _D, _S), jnp.float32),
        scratch_types=[
            pltpu.VMEM((_BPW, _L), jnp.int32),
            pltpu.VMEM((_BPW, _L), jnp.int32),
            pltpu.VMEM((_BPW, _L), jnp.int32),
            pltpu.VMEM((_S, _D), jnp.float32),
            pltpu.VMEM((_S, _D), jnp.float32),
            pltpu.VMEM((_D, _S), jnp.float32),
            pltpu.VMEM((_D, _S), jnp.float32),
            pltpu.SemaphoreType.DMA,
            pltpu.SemaphoreType.DMA,
            pltpu.SemaphoreType.DMA,
            pltpu.SemaphoreType.DMA,
        ],
    )
    return run(c1, c2, c3, table)

# --- scband reference (transcript-rebuilt; emitter-appended) ---
"""Pipeline reference for scband-relation-classifier-14980845929026 (READ-ONLY COPY).

The authoritative reference and input builder live on the scoring server;
editing this copy changes nothing except your own understanding.
"""

import jax, jax.numpy as jnp
import numpy as np

VOCAB = 1000000
EMBED_DIM = 32
BATCH = 4096
SEQ_LEN = 50


def setup_inputs(seed: int = 0) -> dict:
    key = jax.random.key(seed)
    k1, k2, k3, k4, k5 = jax.random.split(key, 5)
    c1_idx = jax.random.randint(k1, (BATCH, SEQ_LEN), 0, VOCAB, dtype=jnp.int64) if jax.config.jax_enable_x64 else jax.random.randint(k1, (BATCH, SEQ_LEN), 0, VOCAB)
    c2_idx = jax.random.randint(k2, (BATCH, SEQ_LEN), 0, VOCAB)
    c3_idx = jax.random.randint(k3, (BATCH, SEQ_LEN), 0, VOCAB)
    # learned params: GloVe-style embedding table + an 'unk' vector (unk is folded
    # into the table in this index-based formulation, but we keep it as a param
    # to mirror the original module; index VOCAB-1 plays the role of <unk>).
    table = jax.random.normal(k4, (VOCAB, EMBED_DIM), dtype=jnp.float32) * 0.02
    return {"c1_idx": c1_idx, "c2_idx": c2_idx, "c3_idx": c3_idx, "table": table}


def reference(c1_idx, c2_idx, c3_idx, table):
    # _assemble_vec_seq: vocab.get(word) -> gather rows of the embedding table.
    # pad_sequence(batch_first=True) -> already dense [B, L, D] since segments
    # are padded to a common length; .transpose(1, 2) -> [B, D, L].
    C1 = jnp.take(table, c1_idx, axis=0).transpose(0, 2, 1)
    C2 = jnp.take(table, c2_idx, axis=0).transpose(0, 2, 1)
    C3 = jnp.take(table, c3_idx, axis=0).transpose(0, 2, 1)
    # assemble S = [C1] + [C2] + [C3] along the sequence axis
    return jnp.concatenate([C1, C2, C3], axis=2)

if __name__ == "__main__":
    import jax
    _d = setup_inputs()
    print(jax.jit(kernel)(*tuple(_d.values())))

</pallas_src>

<mosaic_0001>
#map = affine_map<(d0, d1) -> (0, 0)>
#map1 = affine_map<(d0, d1) -> (0, 0, 0)>
module attributes {stable_mosaic.version = 14 : i64} {
  func.func @_sc_body(%arg0: i32, %arg1: i32, %arg2: memref<4096x50xi32, #tpu.memory_space<hbm>>, %arg3: memref<4096x50xi32, #tpu.memory_space<hbm>>, %arg4: memref<4096x50xi32, #tpu.memory_space<hbm>>, %arg5: memref<1000000x32xf32, #tpu.memory_space<hbm>>, %arg6: memref<4096x32x150xf32, #tpu.memory_space<hbm>>, %arg7: memref<128x50xi32, #tpu.memory_space<vmem>>, %arg8: memref<128x50xi32, #tpu.memory_space<vmem>>, %arg9: memref<128x50xi32, #tpu.memory_space<vmem>>, %arg10: memref<150x32xf32, #tpu.memory_space<vmem>>, %arg11: memref<150x32xf32, #tpu.memory_space<vmem>>, %arg12: memref<32x150xf32, #tpu.memory_space<vmem>>, %arg13: memref<32x150xf32, #tpu.memory_space<vmem>>, %arg14: memref<!tpu.dma_semaphore, #tpu.memory_space<semaphore_mem>>, %arg15: memref<!tpu.dma_semaphore, #tpu.memory_space<semaphore_mem>>, %arg16: memref<!tpu.dma_semaphore, #tpu.memory_space<semaphore_mem>>, %arg17: memref<!tpu.dma_semaphore, #tpu.memory_space<semaphore_mem>>) attributes {dimension_semantics = [#tpu.dimension_semantics<core_parallel>, #tpu.dimension_semantics<subcore_parallel>], iteration_bounds = array<i64: 2, 16>, scalar_prefetch = 0 : i64, scratch_operands = 11 : i64, tpu.core_type = #tpu.core_type<sc_vector_subcore>, window_params = [{transform_indices = #map}, {transform_indices = #map}, {transform_indices = #map}, {transform_indices = #map}, {transform_indices = #map1}]} {
    %mul3A = arith.constant 2 : i32
    %mul3A_0 = arith.muli %arg1, %mul3A : i32
    %add3A = arith.addi %mul3A_0, %arg0 : i32
    %mul3A_1 = arith.constant 128 : i32
    %mul3A_2 = arith.muli %add3A, %mul3A_1 : i32
    "tpu.region"() ({
      %run_scoped3A = tpu.sem_alloc : memref<!tpu.dma_semaphore, #tpu.memory_space<semaphore_mem>>
      %dma_start3A_89 = arith.constant 0 : i32
      %dma_start3A_90 = tpu.memref_slice %arg2[%mul3A_2, %dma_start3A_89] : memref<4096x50xi32, #tpu.memory_space<hbm>> -> memref<128x50xi32, #tpu.memory_space<hbm>>
      %dma_start3A_91 = arith.constant 0 : i32
      %dma_start3A_92 = tpu.memref_slice %arg2[%mul3A_2, %dma_start3A_91] : memref<4096x50xi32, #tpu.memory_space<hbm>> -> memref<128x50xi32, #tpu.memory_space<hbm>>
      tpu.enqueue_dma source(%dma_start3A_92 : memref<128x50xi32, #tpu.memory_space<hbm>>) target(%arg7 : memref<128x50xi32, #tpu.memory_space<vmem>>) target_semaphore(%run_scoped3A : memref<!tpu.dma_semaphore, #tpu.memory_space<semaphore_mem>>)
      %dma_wait3A_93 = arith.constant 0 : i32
      %dma_wait3A_94 = tpu.memref_slice %arg2[%mul3A_2, %dma_wait3A_93] : memref<4096x50xi32, #tpu.memory_space<hbm>> -> memref<128x50xi32, #tpu.memory_space<hbm>>
      %dma_wait3A_95 = arith.constant 0 : i32
      %dma_wait3A_96 = tpu.memref_slice %arg2[%mul3A_2, %dma_wait3A_95] : memref<4096x50xi32, #tpu.memory_space<hbm>> -> memref<128x50xi32, #tpu.memory_space<hbm>>
      tpu.wait_dma2 semaphore(%run_scoped3A : memref<!tpu.dma_semaphore, #tpu.memory_space<semaphore_mem>>) src(%dma_wait3A_96 : memref<128x50xi32, #tpu.memory_space<hbm>>) dst(%arg7 : memref<128x50xi32, #tpu.memory_space<vmem>>)
      tpu.yield
    }) : () -> ()
    "tpu.region"() ({
      %run_scoped3A = tpu.sem_alloc : memref<!tpu.dma_semaphore, #tpu.memory_space<semaphore_mem>>
      %dma_start3A_89 = arith.constant 0 : i32
      %dma_start3A_90 = tpu.memref_slice %arg3[%mul3A_2, %dma_start3A_89] : memref<4096x50xi32, #tpu.memory_space<hbm>> -> memref<128x50xi32, #tpu.memory_space<hbm>>
      %dma_start3A_91 = arith.constant 0 : i32
      %dma_start3A_92 = tpu.memref_slice %arg3[%mul3A_2, %dma_start3A_91] : memref<4096x50xi32, #tpu.memory_space<hbm>> -> memref<128x50xi32, #tpu.memory_space<hbm>>
      tpu.enqueue_dma source(%dma_start3A_92 : memref<128x50xi32, #tpu.memory_space<hbm>>) target(%arg8 : memref<128x50xi32, #tpu.memory_space<vmem>>) target_semaphore(%run_scoped3A : memref<!tpu.dma_semaphore, #tpu.memory_space<semaphore_mem>>)
      %dma_wait3A_93 = arith.constant 0 : i32
      %dma_wait3A_94 = tpu.memref_slice %arg3[%mul3A_2, %dma_wait3A_93] : memref<4096x50xi32, #tpu.memory_space<hbm>> -> memref<128x50xi32, #tpu.memory_space<hbm>>
      %dma_wait3A_95 = arith.constant 0 : i32
      %dma_wait3A_96 = tpu.memref_slice %arg3[%mul3A_2, %dma_wait3A_95] : memref<4096x50xi32, #tpu.memory_space<hbm>> -> memref<128x50xi32, #tpu.memory_space<hbm>>
      tpu.wait_dma2 semaphore(%run_scoped3A : memref<!tpu.dma_semaphore, #tpu.memory_space<semaphore_mem>>) src(%dma_wait3A_96 : memref<128x50xi32, #tpu.memory_space<hbm>>) dst(%arg8 : memref<128x50xi32, #tpu.memory_space<vmem>>)
      tpu.yield
    }) : () -> ()
    "tpu.region"() ({
      %run_scoped3A = tpu.sem_alloc : memref<!tpu.dma_semaphore, #tpu.memory_space<semaphore_mem>>
      %dma_start3A_89 = arith.constant 0 : i32
      %dma_start3A_90 = tpu.memref_slice %arg4[%mul3A_2, %dma_start3A_89] : memref<4096x50xi32, #tpu.memory_space<hbm>> -> memref<128x50xi32, #tpu.memory_space<hbm>>
      %dma_start3A_91 = arith.constant 0 : i32
      %dma_start3A_92 = tpu.memref_slice %arg4[%mul3A_2, %dma_start3A_91] : memref<4096x50xi32, #tpu.memory_space<hbm>> -> memref<128x50xi32, #tpu.memory_space<hbm>>
      tpu.enqueue_dma source(%dma_start3A_92 : memref<128x50xi32, #tpu.memory_space<hbm>>) target(%arg9 : memref<128x50xi32, #tpu.memory_space<vmem>>) target_semaphore(%run_scoped3A : memref<!tpu.dma_semaphore, #tpu.memory_space<semaphore_mem>>)
      %dma_wait3A_93 = arith.constant 0 : i32
      %dma_wait3A_94 = tpu.memref_slice %arg4[%mul3A_2, %dma_wait3A_93] : memref<4096x50xi32, #tpu.memory_space<hbm>> -> memref<128x50xi32, #tpu.memory_space<hbm>>
      %dma_wait3A_95 = arith.constant 0 : i32
      %dma_wait3A_96 = tpu.memref_slice %arg4[%mul3A_2, %dma_wait3A_95] : memref<4096x50xi32, #tpu.memory_space<hbm>> -> memref<128x50xi32, #tpu.memory_space<hbm>>
      tpu.wait_dma2 semaphore(%run_scoped3A : memref<!tpu.dma_semaphore, #tpu.memory_space<semaphore_mem>>) src(%dma_wait3A_96 : memref<128x50xi32, #tpu.memory_space<hbm>>) dst(%arg9 : memref<128x50xi32, #tpu.memory_space<vmem>>)
      tpu.yield
    }) : () -> ()
    %iota3A = tpu.iota {dimensions = array<i32: 0>} : vector<16xi32>
    %dma_start3A = arith.constant 0 : i32
    %dma_start3A_3 = arith.constant 0 : i32
    %dma_start3A_4 = arith.constant 0 : i32
    %dma_start3A_5 = tpu.memref_slice %arg10[%dma_start3A_3, %dma_start3A_4] : memref<150x32xf32, #tpu.memory_space<vmem>> -> memref<50x32xf32, #tpu.memory_space<vmem>>
    %dma_start3A_6 = arith.constant 0 : i32
    %dma_start3A_7 = tpu.memref_slice %arg7[%dma_start3A, %dma_start3A_6] : memref<128x50xi32, #tpu.memory_space<vmem>> -> memref<1x50xi32, #tpu.memory_space<vmem>>
    %dma_start3A_8 = tpu.memref_squeeze %dma_start3A_7 : memref<1x50xi32, #tpu.memory_space<vmem>> -> memref<50xi32, #tpu.memory_space<vmem>>
    %dma_start3A_9 = arith.constant 0 : i32
    %dma_start3A_10 = arith.constant 0 : i32
    %dma_start3A_11 = tpu.memref_slice %arg5[%dma_start3A_9, %dma_start3A_10] : memref<1000000x32xf32, #tpu.memory_space<hbm>> -> memref<1000000x32xf32, #tpu.memory_space<hbm>>
    tpu.enqueue_indirect_dma source(%dma_start3A_11 : memref<1000000x32xf32, #tpu.memory_space<hbm>>) target(%dma_start3A_5 : memref<50x32xf32, #tpu.memory_space<vmem>>) offsets(%dma_start3A_8 : memref<50xi32, #tpu.memory_space<vmem>>) semaphore(%arg14 : memref<!tpu.dma_semaphore, #tpu.memory_space<semaphore_mem>>)
    %dma_start3A_12 = arith.constant 0 : i32
    %dma_start3A_13 = arith.constant 50 : i32
    %dma_start3A_14 = arith.constant 0 : i32
    %dma_start3A_15 = tpu.memref_slice %arg10[%dma_start3A_13, %dma_start3A_14] : memref<150x32xf32, #tpu.memory_space<vmem>> -> memref<50x32xf32, #tpu.memory_space<vmem>>
    %dma_start3A_16 = arith.constant 0 : i32
    %dma_start3A_17 = tpu.memref_slice %arg8[%dma_start3A_12, %dma_start3A_16] : memref<128x50xi32, #tpu.memory_space<vmem>> -> memref<1x50xi32, #tpu.memory_space<vmem>>
    %dma_start3A_18 = tpu.memref_squeeze %dma_start3A_17 : memref<1x50xi32, #tpu.memory_space<vmem>> -> memref<50xi32, #tpu.memory_space<vmem>>
    %dma_start3A_19 = arith.constant 0 : i32
    %dma_start3A_20 = arith.constant 0 : i32
    %dma_start3A_21 = tpu.memref_slice %arg5[%dma_start3A_19, %dma_start3A_20] : memref<1000000x32xf32, #tpu.memory_space<hbm>> -> memref<1000000x32xf32, #tpu.memory_space<hbm>>
    tpu.enqueue_indirect_dma source(%dma_start3A_21 : memref<1000000x32xf32, #tpu.memory_space<hbm>>) target(%dma_start3A_15 : memref<50x32xf32, #tpu.memory_space<vmem>>) offsets(%dma_start3A_18 : memref<50xi32, #tpu.memory_space<vmem>>) semaphore(%arg14 : memref<!tpu.dma_semaphore, #tpu.memory_space<semaphore_mem>>)
    %dma_start3A_22 = arith.constant 0 : i32
    %dma_start3A_23 = arith.constant 100 : i32
    %dma_start3A_24 = arith.constant 0 : i32
    %dma_start3A_25 = tpu.memref_slice %arg10[%dma_start3A_23, %dma_start3A_24] : memref<150x32xf32, #tpu.memory_space<vmem>> -> memref<50x32xf32, #tpu.memory_space<vmem>>
    %dma_start3A_26 = arith.constant 0 : i32
    %dma_start3A_27 = tpu.memref_slice %arg9[%dma_start3A_22, %dma_start3A_26] : memref<128x50xi32, #tpu.memory_space<vmem>> -> memref<1x50xi32, #tpu.memory_space<vmem>>
    %dma_start3A_28 = tpu.memref_squeeze %dma_start3A_27 : memref<1x50xi32, #tpu.memory_space<vmem>> -> memref<50xi32, #tpu.memory_space<vmem>>
    %dma_start3A_29 = arith.constant 0 : i32
    %dma_start3A_30 = arith.constant 0 : i32
    %dma_start3A_31 = tpu.memref_slice %arg5[%dma_start3A_29, %dma_start3A_30] : memref<1000000x32xf32, #tpu.memory_space<hbm>> -> memref<1000000x32xf32, #tpu.memory_space<hbm>>
    tpu.enqueue_indirect_dma source(%dma_start3A_31 : memref<1000000x32xf32, #tpu.memory_space<hbm>>) target(%dma_start3A_25 : memref<50x32xf32, #tpu.memory_space<vmem>>) offsets(%dma_start3A_28 : memref<50xi32, #tpu.memory_space<vmem>>) semaphore(%arg14 : memref<!tpu.dma_semaphore, #tpu.memory_space<semaphore_mem>>)
    %dma_start3A_32 = arith.constant 1 : i32
    %dma_start3A_33 = arith.constant 0 : i32
    %dma_start3A_34 = arith.constant 0 : i32
    %dma_start3A_35 = tpu.memref_slice %arg11[%dma_start3A_33, %dma_start3A_34] : memref<150x32xf32, #tpu.memory_space<vmem>> -> memref<50x32xf32, #tpu.memory_space<vmem>>
    %dma_start3A_36 = arith.constant 0 : i32
    %dma_start3A_37 = tpu.memref_slice %arg7[%dma_start3A_32, %dma_start3A_36] : memref<128x50xi32, #tpu.memory_space<vmem>> -> memref<1x50xi32, #tpu.memory_space<vmem>>
    %dma_start3A_38 = tpu.memref_squeeze %dma_start3A_37 : memref<1x50xi32, #tpu.memory_space<vmem>> -> memref<50xi32, #tpu.memory_space<vmem>>
    %dma_start3A_39 = arith.constant 0 : i32
    %dma_start3A_40 = arith.constant 0 : i32
    %dma_start3A_41 = tpu.memref_slice %arg5[%dma_start3A_39, %dma_start3A_40] : memref<1000000x32xf32, #tpu.memory_space<hbm>> -> memref<1000000x32xf32, #tpu.memory_space<hbm>>
    tpu.enqueue_indirect_dma source(%dma_start3A_41 : memref<1000000x32xf32, #tpu.memory_space<hbm>>) target(%dma_start3A_35 : memref<50x32xf32, #tpu.memory_space<vmem>>) offsets(%dma_start3A_38 : memref<50xi32, #tpu.memory_space<vmem>>) semaphore(%arg15 : memref<!tpu.dma_semaphore, #tpu.memory_space<semaphore_mem>>)
    %dma_start3A_42 = arith.constant 1 : i32
    %dma_start3A_43 = arith.constant 50 : i32
    %dma_start3A_44 = arith.constant 0 : i32
    %dma_start3A_45 = tpu.memref_slice %arg11[%dma_start3A_43, %dma_start3A_44] : memref<150x32xf32, #tpu.memory_space<vmem>> -> memref<50x32xf32, #tpu.memory_space<vmem>>
    %dma_start3A_46 = arith.constant 0 : i32
    %dma_start3A_47 = tpu.memref_slice %arg8[%dma_start3A_42, %dma_start3A_46] : memref<128x50xi32, #tpu.memory_space<vmem>> -> memref<1x50xi32, #tpu.memory_space<vmem>>
    %dma_start3A_48 = tpu.memref_squeeze %dma_start3A_47 : memref<1x50xi32, #tpu.memory_space<vmem>> -> memref<50xi32, #tpu.memory_space<vmem>>
    %dma_start3A_49 = arith.constant 0 : i32
    %dma_start3A_50 = arith.constant 0 : i32
    %dma_start3A_51 = tpu.memref_slice %arg5[%dma_start3A_49, %dma_start3A_50] : memref<1000000x32xf32, #tpu.memory_space<hbm>> -> memref<1000000x32xf32, #tpu.memory_space<hbm>>
    tpu.enqueue_indirect_dma source(%dma_start3A_51 : memref<1000000x32xf32, #tpu.memory_space<hbm>>) target(%dma_start3A_45 : memref<50x32xf32, #tpu.memory_space<vmem>>) offsets(%dma_start3A_48 : memref<50xi32, #tpu.memory_space<vmem>>) semaphore(%arg15 : memref<!tpu.dma_semaphore, #tpu.memory_space<semaphore_mem>>)
    %dma_start3A_52 = arith.constant 1 : i32
    %dma_start3A_53 = arith.constant 100 : i32
    %dma_start3A_54 = arith.constant 0 : i32
    %dma_start3A_55 = tpu.memref_slice %arg11[%dma_start3A_53, %dma_start3A_54] : memref<150x32xf32, #tpu.memory_space<vmem>> -> memref<50x32xf32, #tpu.memory_space<vmem>>
    %dma_start3A_56 = arith.constant 0 : i32
    %dma_start3A_57 = tpu.memref_slice %arg9[%dma_start3A_52, %dma_start3A_56] : memref<128x50xi32, #tpu.memory_space<vmem>> -> memref<1x50xi32, #tpu.memory_space<vmem>>
    %dma_start3A_58 = tpu.memref_squeeze %dma_start3A_57 : memref<1x50xi32, #tpu.memory_space<vmem>> -> memref<50xi32, #tpu.memory_space<vmem>>
    %dma_start3A_59 = arith.constant 0 : i32
    %dma_start3A_60 = arith.constant 0 : i32
    %dma_start3A_61 = tpu.memref_slice %arg5[%dma_start3A_59, %dma_start3A_60] : memref<1000000x32xf32, #tpu.memory_space<hbm>> -> memref<1000000x32xf32, #tpu.memory_space<hbm>>
    tpu.enqueue_indirect_dma source(%dma_start3A_61 : memref<1000000x32xf32, #tpu.memory_space<hbm>>) target(%dma_start3A_55 : memref<50x32xf32, #tpu.memory_space<vmem>>) offsets(%dma_start3A_58 : memref<50xi32, #tpu.memory_space<vmem>>) semaphore(%arg15 : memref<!tpu.dma_semaphore, #tpu.memory_space<semaphore_mem>>)
    %scan3A = arith.constant 0 : i32
    %scan3A_62 = arith.constant 0 : i32
    %scan3A_63 = arith.constant 64 : i32
    %scan3A_64 = arith.addi %scan3A_62, %scan3A_63 : i32
    %scan3A_65 = arith.constant 1 : i32
    scf.for %scan3A_89 = %scan3A_62 to %scan3A_64 step %scan3A_65  : i32 {
      %mul3A_90 = arith.constant 2 : i32
      %mul3A_91 = arith.muli %mul3A_90, %scan3A_89 : i32
      %add3A_92 = arith.constant 0 : i32
      %add3A_93 = arith.addi %mul3A_91, %add3A_92 : i32
      %dma_wait3A_94 = arith.constant 0 : i32
      %dma_wait3A_95 = arith.constant 0 : i32
      %dma_wait3A_96 = tpu.memref_slice %arg10[%dma_wait3A_94, %dma_wait3A_95] : memref<150x32xf32, #tpu.memory_space<vmem>> -> memref<50x32xf32, #tpu.memory_space<vmem>>
      %dma_wait3A_97 = arith.constant 0 : i32
      %dma_wait3A_98 = tpu.memref_slice %arg7[%add3A_93, %dma_wait3A_97] : memref<128x50xi32, #tpu.memory_space<vmem>> -> memref<1x50xi32, #tpu.memory_space<vmem>>
      %dma_wait3A_99 = tpu.memref_squeeze %dma_wait3A_98 : memref<1x50xi32, #tpu.memory_space<vmem>> -> memref<50xi32, #tpu.memory_space<vmem>>
      %dma_wait3A_100 = arith.constant 0 : i32
      %dma_wait3A_101 = arith.constant 0 : i32
      %dma_wait3A_102 = tpu.memref_slice %arg5[%dma_wait3A_100, %dma_wait3A_101] : memref<1000000x32xf32, #tpu.memory_space<hbm>> -> memref<1000000x32xf32, #tpu.memory_space<hbm>>
      tpu.wait_indirect_dma semaphore(%arg14 : memref<!tpu.dma_semaphore, #tpu.memory_space<semaphore_mem>>) src(%dma_wait3A_102 : memref<1000000x32xf32, #tpu.memory_space<hbm>>) dst(%dma_wait3A_96 : memref<50x32xf32, #tpu.memory_space<vmem>>)
      %dma_wait3A_103 = arith.constant 50 : i32
      %dma_wait3A_104 = arith.constant 0 : i32
      %dma_wait3A_105 = tpu.memref_slice %arg10[%dma_wait3A_103, %dma_wait3A_104] : memref<150x32xf32, #tpu.memory_space<vmem>> -> memref<50x32xf32, #tpu.memory_space<vmem>>
      %dma_wait3A_106 = arith.constant 0 : i32
      %dma_wait3A_107 = tpu.memref_slice %arg8[%add3A_93, %dma_wait3A_106] : memref<128x50xi32, #tpu.memory_space<vmem>> -> memref<1x50xi32, #tpu.memory_space<vmem>>
      %dma_wait3A_108 = tpu.memref_squeeze %dma_wait3A_107 : memref<1x50xi32, #tpu.memory_space<vmem>> -> memref<50xi32, #tpu.memory_space<vmem>>
      %dma_wait3A_109 = arith.constant 0 : i32
      %dma_wait3A_110 = arith.constant 0 : i32
      %dma_wait3A_111 = tpu.memref_slice %arg5[%dma_wait3A_109, %dma_wait3A_110] : memref<1000000x32xf32, #tpu.memory_space<hbm>> -> memref<1000000x32xf32, #tpu.memory_space<hbm>>
      tpu.wait_indirect_dma semaphore(%arg14 : memref<!tpu.dma_semaphore, #tpu.memory_space<semaphore_mem>>) src(%dma_wait3A_111 : memref<1000000x32xf32, #tpu.memory_space<hbm>>) dst(%dma_wait3A_105 : memref<50x32xf32, #tpu.memory_space<vmem>>)
      %dma_wait3A_112 = arith.constant 100 : i32
      %dma_wait3A_113 = arith.constant 0 : i32
      %dma_wait3A_114 = tpu.memref_slice %arg10[%dma_wait3A_112, %dma_wait3A_113] : memref<150x32xf32, #tpu.memory_space<vmem>> -> memref<50x32xf32, #tpu.memory_space<vmem>>
      %dma_wait3A_115 = arith.constant 0 : i32
      %dma_wait3A_116 = tpu.memref_slice %arg9[%add3A_93, %dma_wait3A_115] : memref<128x50xi32, #tpu.memory_space<vmem>> -> memref<1x50xi32, #tpu.memory_space<vmem>>
      %dma_wait3A_117 = tpu.memref_squeeze %dma_wait3A_116 : memref<1x50xi32, #tpu.memory_space<vmem>> -> memref<50xi32, #tpu.memory_space<vmem>>
      %dma_wait3A_118 = arith.constant 0 : i32
      %dma_wait3A_119 = arith.constant 0 : i32
      %dma_wait3A_120 = tpu.memref_slice %arg5[%dma_wait3A_118, %dma_wait3A_119] : memref<1000000x32xf32, #tpu.memory_space<hbm>> -> memref<1000000x32xf32, #tpu.memory_space<hbm>>
      tpu.wait_indirect_dma semaphore(%arg14 : memref<!tpu.dma_semaphore, #tpu.memory_space<semaphore_mem>>) src(%dma_wait3A_120 : memref<1000000x32xf32, #tpu.memory_space<hbm>>) dst(%dma_wait3A_114 : memref<50x32xf32, #tpu.memory_space<vmem>>)
      %ge3A = arith.constant 2 : i32
      %ge3A_121 = arith.cmpi sge, %mul3A_91, %ge3A : i32
      %convert_element_type3A = arith.extui %ge3A_121 : i1 to i32
      %cond3A = arith.constant 0 : i32
      %cond3A_122 = arith.cmpi ne, %convert_element_type3A, %cond3A : i32
      scf.if %cond3A_122 {
        %add3A_196 = arith.addi %mul3A_2, %add3A_93 : i32
        %sub3A_197 = arith.constant 2 : i32
        %sub3A_198 = arith.subi %add3A_196, %sub3A_197 : i32
        %dma_wait3A_199 = arith.constant 0 : i32
        %dma_wait3A_200 = arith.constant 0 : i32
        %dma_wait3A_201 = tpu.memref_slice %arg6[%sub3A_198, %dma_wait3A_199, %dma_wait3A_200] : memref<4096x32x150xf32, #tpu.memory_space<hbm>> -> memref<1x32x150xf32, #tpu.memory_space<hbm>>
        %dma_wait3A_202 = tpu.memref_squeeze %dma_wait3A_201 : memref<1x32x150xf32, #tpu.memory_space<hbm>> -> memref<32x150xf32, #tpu.memory_space<hbm>>
        %dma_wait3A_203 = arith.constant 0 : i32
        %dma_wait3A_204 = arith.constant 0 : i32
        %dma_wait3A_205 = tpu.memref_slice %arg6[%sub3A_198, %dma_wait3A_203, %dma_wait3A_204] : memref<4096x32x150xf32, #tpu.memory_space<hbm>> -> memref<1x32x150xf32, #tpu.memory_space<hbm>>
        %dma_wait3A_206 = tpu.memref_squeeze %dma_wait3A_205 : memref<1x32x150xf32, #tpu.memory_space<hbm>> -> memref<32x150xf32, #tpu.memory_space<hbm>>
        tpu.wait_dma2 semaphore(%arg16 : memref<!tpu.dma_semaphore, #tpu.memory_space<semaphore_mem>>) src(%arg12 : memref<32x150xf32, #tpu.memory_space<vmem>>) dst(%dma_wait3A_206 : memref<32x150xf32, #tpu.memory_space<hbm>>)
      } else {
      }
      %scan3A_123 = arith.constant 0 : i32
      %scan3A_124 = arith.constant 0 : i32
      %scan3A_125 = arith.constant 25 : i32
      %scan3A_126 = arith.addi %scan3A_124, %scan3A_125 : i32
      %scan3A_127 = arith.constant 1 : i32
      scf.for %scan3A_196 = %scan3A_124 to %scan3A_126 step %scan3A_127  : i32 {
        %mul3A_197 = arith.constant 6 : i32
        %mul3A_198 = arith.muli %scan3A_196, %mul3A_197 : i32
        %add3A_199 = arith.constant 0 : i32
        %add3A_200 = arith.addi %mul3A_198, %add3A_199 : i32
        %get3A = arith.index_cast %add3A_200 : i32 to index
        %get3A_201 = arith.constant 0 : index
        %get3A_202 = tpu.vector_load %arg10[%get3A, %get3A_201] {strides = array<i32>} : memref<150x32xf32, #tpu.memory_space<vmem>>, vector<16xf32>,
        %get3A_203 = arith.index_cast %add3A_200 : i32 to index
        %get3A_204 = arith.constant 16 : index
        %get3A_205 = tpu.vector_load %arg10[%get3A_203, %get3A_204] {strides = array<i32>} : memref<150x32xf32, #tpu.memory_space<vmem>>, vector<16xf32>,
        %broadcast_in_dim3A = arith.constant 0 : i32
        %broadcast_in_dim3A_206 = vector.broadcast %broadcast_in_dim3A : i32 to vector<16xi32>
        %add3A_207 = vector.broadcast %add3A_200 : i32 to vector<16xi32>
        %add3A_208 = arith.addi %broadcast_in_dim3A_206, %add3A_207 : vector<16xi32>
        tpu.vector_store_idx %arg12[%iota3A, %add3A_208], %get3A_202 : memref<32x150xf32, #tpu.memory_space<vmem>>[vector<16xi32>, vector<16xi32>], vector<16xf32>,
        %add3A_209 = arith.constant 16 : i32
        %add3A_210 = vector.broadcast %add3A_209 : i32 to vector<16xi32>
        %add3A_211 = arith.addi %iota3A, %add3A_210 : vector<16xi32>
        tpu.vector_store_idx %arg12[%add3A_211, %add3A_208], %get3A_205 : memref<32x150xf32, #tpu.memory_space<vmem>>[vector<16xi32>, vector<16xi32>], vector<16xf32>,
        %mul3A_212 = arith.constant 6 : i32
        %mul3A_213 = arith.muli %scan3A_196, %mul3A_212 : i32
        %add3A_214 = arith.constant 1 : i32
        %add3A_215 = arith.addi %mul3A_213, %add3A_214 : i32
        %get3A_216 = arith.index_cast %add3A_215 : i32 to index
        %get3A_217 = arith.constant 0 : index
        %get3A_218 = tpu.vector_load %arg10[%get3A_216, %get3A_217] {strides = array<i32>} : memref<150x32xf32, #tpu.memory_space<vmem>>, vector<16xf32>,
        %get3A_219 = arith.index_cast %add3A_215 : i32 to index
        %get3A_220 = arith.constant 16 : index
        %get3A_221 = tpu.vector_load %arg10[%get3A_219, %get3A_220] {strides = array<i32>} : memref<150x32xf32, #tpu.memory_space<vmem>>, vector<16xf32>,
        %broadcast_in_dim3A_222 = arith.constant 0 : i32
        %broadcast_in_dim3A_223 = vector.broadcast %broadcast_in_dim3A_222 : i32 to vector<16xi32>
        %add3A_224 = vector.broadcast %add3A_215 : i32 to vector<16xi32>
        %add3A_225 = arith.addi %broadcast_in_dim3A_223, %add3A_224 : vector<16xi32>
        tpu.vector_store_idx %arg12[%iota3A, %add3A_225], %get3A_218 : memref<32x150xf32, #tpu.memory_space<vmem>>[vector<16xi32>, vector<16xi32>], vector<16xf32>,
        %add3A_226 = arith.constant 16 : i32
        %add3A_227 = vector.broadcast %add3A_226 : i32 to vector<16xi32>
        %add3A_228 = arith.addi %iota3A, %add3A_227 : vector<16xi32>
        tpu.vector_store_idx %arg12[%add3A_228, %add3A_225], %get3A_221 : memref<32x150xf32, #tpu.memory_space<vmem>>[vector<16xi32>, vector<16xi32>], vector<16xf32>,
        %mul3A_229 = arith.constant 6 : i32
        %mul3A_230 = arith.muli %scan3A_196, %mul3A_229 : i32
        %add3A_231 = arith.constant 2 : i32
        %add3A_232 = arith.addi %mul3A_230, %add3A_231 : i32
        %get3A_233 = arith.index_cast %add3A_232 : i32 to index
        %get3A_234 = arith.constant 0 : index
        %get3A_235 = tpu.vector_load %arg10[%get3A_233, %get3A_234] {strides = array<i32>} : memref<150x32xf32, #tpu.memory_space<vmem>>, vector<16xf32>,
        %get3A_236 = arith.index_cast %add3A_232 : i32 to index
        %get3A_237 = arith.constant 16 : index
        %get3A_238 = tpu.vector_load %arg10[%get3A_236, %get3A_237] {strides = array<i32>} : memref<150x32xf32, #tpu.memory_space<vmem>>, vector<16xf32>,
        %broadcast_in_dim3A_239 = arith.constant 0 : i32
        %broadcast_in_dim3A_240 = vector.broadcast %broadcast_in_dim3A_239 : i32 to vector<16xi32>
        %add3A_241 = vector.broadcast %add3A_232 : i32 to vector<16xi32>
        %add3A_242 = arith.addi %broadcast_in_dim3A_240, %add3A_241 : vector<16xi32>
        tpu.vector_store_idx %arg12[%iota3A, %add3A_242], %get3A_235 : memref<32x150xf32, #tpu.memory_space<vmem>>[vector<16xi32>, vector<16xi32>], vector<16xf32>,
        %add3A_243 = arith.constant 16 : i32
        %add3A_244 = vector.broadcast %add3A_243 : i32 to vector<16xi32>
        %add3A_245 = arith.addi %iota3A, %add3A_244 : vector<16xi32>
        tpu.vector_store_idx %arg12[%add3A_245, %add3A_242], %get3A_238 : memref<32x150xf32, #tpu.memory_space<vmem>>[vector<16xi32>, vector<16xi32>], vector<16xf32>,
        %mul3A_246 = arith.constant 6 : i32
        %mul3A_247 = arith.muli %scan3A_196, %mul3A_246 : i32
        %add3A_248 = arith.constant 3 : i32
        %add3A_249 = arith.addi %mul3A_247, %add3A_248 : i32
        %get3A_250 = arith.index_cast %add3A_249 : i32 to index
        %get3A_251 = arith.constant 0 : index
        %get3A_252 = tpu.vector_load %arg10[%get3A_250, %get3A_251] {strides = array<i32>} : memref<150x32xf32, #tpu.memory_space<vmem>>, vector<16xf32>,
        %get3A_253 = arith.index_cast %add3A_249 : i32 to index
        %get3A_254 = arith.constant 16 : index
        %get3A_255 = tpu.vector_load %arg10[%get3A_253, %get3A_254] {strides = array<i32>} : memref<150x32xf32, #tpu.memory_space<vmem>>, vector<16xf32>,
        %broadcast_in_dim3A_256 = arith.constant 0 : i32
        %broadcast_in_dim3A_257 = vector.broadcast %broadcast_in_dim3A_256 : i32 to vector<16xi32>
        %add3A_258 = vector.broadcast %add3A_249 : i32 to vector<16xi32>
        %add3A_259 = arith.addi %broadcast_in_dim3A_257, %add3A_258 : vector<16xi32>
        tpu.vector_store_idx %arg12[%iota3A, %add3A_259], %get3A_252 : memref<32x150xf32, #tpu.memory_space<vmem>>[vector<16xi32>, vector<16xi32>], vector<16xf32>,
        %add3A_260 = arith.constant 16 : i32
        %add3A_261 = vector.broadcast %add3A_260 : i32 to vector<16xi32>
        %add3A_262 = arith.addi %iota3A, %add3A_261 : vector<16xi32>
        tpu.vector_store_idx %arg12[%add3A_262, %add3A_259], %get3A_255 : memref<32x150xf32, #tpu.memory_space<vmem>>[vector<16xi32>, vector<16xi32>], vector<16xf32>,
        %mul3A_263 = arith.constant 6 : i32
        %mul3A_264 = arith.muli %scan3A_196, %mul3A_263 : i32
        %add3A_265 = arith.constant 4 : i32
        %add3A_266 = arith.addi %mul3A_264, %add3A_265 : i32
        %get3A_267 = arith.index_cast %add3A_266 : i32 to index
        %get3A_268 = arith.constant 0 : index
        %get3A_269 = tpu.vector_load %arg10[%get3A_267, %get3A_268] {strides = array<i32>} : memref<150x32xf32, #tpu.memory_space<vmem>>, vector<16xf32>,
        %get3A_270 = arith.index_cast %add3A_266 : i32 to index
        %get3A_271 = arith.constant 16 : index
        %get3A_272 = tpu.vector_load %arg10[%get3A_270, %get3A_271] {strides = array<i32>} : memref<150x32xf32, #tpu.memory_space<vmem>>, vector<16xf32>,
        %broadcast_in_dim3A_273 = arith.constant 0 : i32
        %broadcast_in_dim3A_274 = vector.broadcast %broadcast_in_dim3A_273 : i32 to vector<16xi32>
        %add3A_275 = vector.broadcast %add3A_266 : i32 to vector<16xi32>
        %add3A_276 = arith.addi %broadcast_in_dim3A_274, %add3A_275 : vector<16xi32>
        tpu.vector_store_idx %arg12[%iota3A, %add3A_276], %get3A_269 : memref<32x150xf32, #tpu.memory_space<vmem>>[vector<16xi32>, vector<16xi32>], vector<16xf32>,
        %add3A_277 = arith.constant 16 : i32
        %add3A_278 = vector.broadcast %add3A_277 : i32 to vector<16xi32>
        %add3A_279 = arith.addi %iota3A, %add3A_278 : vector<16xi32>
        tpu.vector_store_idx %arg12[%add3A_279, %add3A_276], %get3A_272 : memref<32x150xf32, #tpu.memory_space<vmem>>[vector<16xi32>, vector<16xi32>], vector<16xf32>,
        %mul3A_280 = arith.constant 6 : i32
        %mul3A_281 = arith.muli %scan3A_196, %mul3A_280 : i32
        %add3A_282 = arith.constant 5 : i32
        %add3A_283 = arith.addi %mul3A_281, %add3A_282 : i32
        %get3A_284 = arith.index_cast %add3A_283 : i32 to index
        %get3A_285 = arith.constant 0 : index
        %get3A_286 = tpu.vector_load %arg10[%get3A_284, %get3A_285] {strides = array<i32>} : memref<150x32xf32, #tpu.memory_space<vmem>>, vector<16xf32>,
        %get3A_287 = arith.index_cast %add3A_283 : i32 to index
        %get3A_288 = arith.constant 16 : index
        %get3A_289 = tpu.vector_load %arg10[%get3A_287, %get3A_288] {strides = array<i32>} : memref<150x32xf32, #tpu.memory_space<vmem>>, vector<16xf32>,
        %broadcast_in_dim3A_290 = arith.constant 0 : i32
        %broadcast_in_dim3A_291 = vector.broadcast %broadcast_in_dim3A_290 : i32 to vector<16xi32>
        %add3A_292 = vector.broadcast %add3A_283 : i32 to vector<16xi32>
        %add3A_293 = arith.addi %broadcast_in_dim3A_291, %add3A_292 : vector<16xi32>
        tpu.vector_store_idx %arg12[%iota3A, %add3A_293], %get3A_286 : memref<32x150xf32, #tpu.memory_space<vmem>>[vector<16xi32>, vector<16xi32>], vector<16xf32>,
        %add3A_294 = arith.constant 16 : i32
        %add3A_295 = vector.broadcast %add3A_294 : i32 to vector<16xi32>
        %add3A_296 = arith.addi %iota3A, %add3A_295 : vector<16xi32>
        tpu.vector_store_idx %arg12[%add3A_296, %add3A_293], %get3A_289 : memref<32x150xf32, #tpu.memory_space<vmem>>[vector<16xi32>, vector<16xi32>], vector<16xf32>,
      }
      %scan3A_128 = arith.constant 25 : i32
      %add3A_129 = arith.addi %mul3A_2, %add3A_93 : i32
      %dma_start3A_130 = arith.constant 0 : i32
      %dma_start3A_131 = arith.constant 0 : i32
      %dma_start3A_132 = tpu.memref_slice %arg6[%add3A_129, %dma_start3A_130, %dma_start3A_131] : memref<4096x32x150xf32, #tpu.memory_space<hbm>> -> memref<1x32x150xf32, #tpu.memory_space<hbm>>
      %dma_start3A_133 = tpu.memref_squeeze %dma_start3A_132 : memref<1x32x150xf32, #tpu.memory_space<hbm>> -> memref<32x150xf32, #tpu.memory_space<hbm>>
      %dma_start3A_134 = arith.constant 0 : i32
      %dma_start3A_135 = arith.constant 0 : i32
      %dma_start3A_136 = tpu.memref_slice %arg6[%add3A_129, %dma_start3A_134, %dma_start3A_135] : memref<4096x32x150xf32, #tpu.memory_space<hbm>> -> memref<1x32x150xf32, #tpu.memory_space<hbm>>
      %dma_start3A_137 = tpu.memref_squeeze %dma_start3A_136 : memref<1x32x150xf32, #tpu.memory_space<hbm>> -> memref<32x150xf32, #tpu.memory_space<hbm>>
      tpu.enqueue_dma source(%arg12 : memref<32x150xf32, #tpu.memory_space<vmem>>) target(%dma_start3A_137 : memref<32x150xf32, #tpu.memory_space<hbm>>) target_semaphore(%arg16 : memref<!tpu.dma_semaphore, #tpu.memory_space<semaphore_mem>>)
      %lt3A = arith.constant 63 : i32
      %lt3A_138 = arith.cmpi slt, %scan3A_89, %lt3A : i32
      %convert_element_type3A_139 = arith.extui %lt3A_138 : i1 to i32
      %cond3A_140 = arith.constant 0 : i32
      %cond3A_141 = arith.cmpi ne, %convert_element_type3A_139, %cond3A_140 : i32
      scf.if %cond3A_141 {
        %add3A_196 = arith.constant 2 : i32
        %add3A_197 = arith.addi %add3A_93, %add3A_196 : i32
        %dma_start3A_198 = arith.constant 0 : i32
        %dma_start3A_199 = arith.constant 0 : i32
        %dma_start3A_200 = tpu.memref_slice %arg10[%dma_start3A_198, %dma_start3A_199] : memref<150x32xf32, #tpu.memory_space<vmem>> -> memref<50x32xf32, #tpu.memory_space<vmem>>
        %dma_start3A_201 = arith.constant 0 : i32
        %dma_start3A_202 = tpu.memref_slice %arg7[%add3A_197, %dma_start3A_201] : memref<128x50xi32, #tpu.memory_space<vmem>> -> memref<1x50xi32, #tpu.memory_space<vmem>>
        %dma_start3A_203 = tpu.memref_squeeze %dma_start3A_202 : memref<1x50xi32, #tpu.memory_space<vmem>> -> memref<50xi32, #tpu.memory_space<vmem>>
        %dma_start3A_204 = arith.constant 0 : i32
        %dma_start3A_205 = arith.constant 0 : i32
        %dma_start3A_206 = tpu.memref_slice %arg5[%dma_start3A_204, %dma_start3A_205] : memref<1000000x32xf32, #tpu.memory_space<hbm>> -> memref<1000000x32xf32, #tpu.memory_space<hbm>>
        tpu.enqueue_indirect_dma source(%dma_start3A_206 : memref<1000000x32xf32, #tpu.memory_space<hbm>>) target(%dma_start3A_200 : memref<50x32xf32, #tpu.memory_space<vmem>>) offsets(%dma_start3A_203 : memref<50xi32, #tpu.memory_space<vmem>>) semaphore(%arg14 : memref<!tpu.dma_semaphore, #tpu.memory_space<semaphore_mem>>)
        %dma_start3A_207 = arith.constant 50 : i32
        %dma_start3A_208 = arith.constant 0 : i32
        %dma_start3A_209 = tpu.memref_slice %arg10[%dma_start3A_207, %dma_start3A_208] : memref<150x32xf32, #tpu.memory_space<vmem>> -> memref<50x32xf32, #tpu.memory_space<vmem>>
        %dma_start3A_210 = arith.constant 0 : i32
        %dma_start3A_211 = tpu.memref_slice %arg8[%add3A_197, %dma_start3A_210] : memref<128x50xi32, #tpu.memory_space<vmem>> -> memref<1x50xi32, #tpu.memory_space<vmem>>
        %dma_start3A_212 = tpu.memref_squeeze %dma_start3A_211 : memref<1x50xi32, #tpu.memory_space<vmem>> -> memref<50xi32, #tpu.memory_space<vmem>>
        %dma_start3A_213 = arith.constant 0 : i32
        %dma_start3A_214 = arith.constant 0 : i32
        %dma_start3A_215 = tpu.memref_slice %arg5[%dma_start3A_213, %dma_start3A_214] : memref<1000000x32xf32, #tpu.memory_space<hbm>> -> memref<1000000x32xf32, #tpu.memory_space<hbm>>
        tpu.enqueue_indirect_dma source(%dma_start3A_215 : memref<1000000x32xf32, #tpu.memory_space<hbm>>) target(%dma_start3A_209 : memref<50x32xf32, #tpu.memory_space<vmem>>) offsets(%dma_start3A_212 : memref<50xi32, #tpu.memory_space<vmem>>) semaphore(%arg14 : memref<!tpu.dma_semaphore, #tpu.memory_space<semaphore_mem>>)
        %dma_start3A_216 = arith.constant 100 : i32
        %dma_start3A_217 = arith.constant 0 : i32
        %dma_start3A_218 = tpu.memref_slice %arg10[%dma_start3A_216, %dma_start3A_217] : memref<150x32xf32, #tpu.memory_space<vmem>> -> memref<50x32xf32, #tpu.memory_space<vmem>>
        %dma_start3A_219 = arith.constant 0 : i32
        %dma_start3A_220 = tpu.memref_slice %arg9[%add3A_197, %dma_start3A_219] : memref<128x50xi32, #tpu.memory_space<vmem>> -> memref<1x50xi32, #tpu.memory_space<vmem>>
        %dma_start3A_221 = tpu.memref_squeeze %dma_start3A_220 : memref<1x50xi32, #tpu.memory_space<vmem>> -> memref<50xi32, #tpu.memory_space<vmem>>
        %dma_start3A_222 = arith.constant 0 : i32
        %dma_start3A_223 = arith.constant 0 : i32
        %dma_start3A_224 = tpu.memref_slice %arg5[%dma_start3A_222, %dma_start3A_223] : memref<1000000x32xf32, #tpu.memory_space<hbm>> -> memref<1000000x32xf32, #tpu.memory_space<hbm>>
        tpu.enqueue_indirect_dma source(%dma_start3A_224 : memref<1000000x32xf32, #tpu.memory_space<hbm>>) target(%dma_start3A_218 : memref<50x32xf32, #tpu.memory_space<vmem>>) offsets(%dma_start3A_221 : memref<50xi32, #tpu.memory_space<vmem>>) semaphore(%arg14 : memref<!tpu.dma_semaphore, #tpu.memory_space<semaphore_mem>>)
      } else {
      }
      %add3A_142 = arith.constant 1 : i32
      %add3A_143 = arith.addi %mul3A_91, %add3A_142 : i32
      %dma_wait3A_144 = arith.constant 0 : i32
      %dma_wait3A_145 = arith.constant 0 : i32
      %dma_wait3A_146 = tpu.memref_slice %arg11[%dma_wait3A_144, %dma_wait3A_145] : memref<150x32xf32, #tpu.memory_space<vmem>> -> memref<50x32xf32, #tpu.memory_space<vmem>>
      %dma_wait3A_147 = arith.constant 0 : i32
      %dma_wait3A_148 = tpu.memref_slice %arg7[%add3A_143, %dma_wait3A_147] : memref<128x50xi32, #tpu.memory_space<vmem>> -> memref<1x50xi32, #tpu.memory_space<vmem>>
      %dma_wait3A_149 = tpu.memref_squeeze %dma_wait3A_148 : memref<1x50xi32, #tpu.memory_space<vmem>> -> memref<50xi32, #tpu.memory_space<vmem>>
      %dma_wait3A_150 = arith.constant 0 : i32
      %dma_wait3A_151 = arith.constant 0 : i32
      %dma_wait3A_152 = tpu.memref_slice %arg5[%dma_wait3A_150, %dma_wait3A_151] : memref<1000000x32xf32, #tpu.memory_space<hbm>> -> memref<1000000x32xf32, #tpu.memory_space<hbm>>
      tpu.wait_indirect_dma semaphore(%arg15 : memref<!tpu.dma_semaphore, #tpu.memory_space<semaphore_mem>>) src(%dma_wait3A_152 : memref<1000000x32xf32, #tpu.memory_space<hbm>>) dst(%dma_wait3A_146 : memref<50x32xf32, #tpu.memory_space<vmem>>)
      %dma_wait3A_153 = arith.constant 50 : i32
      %dma_wait3A_154 = arith.constant 0 : i32
      %dma_wait3A_155 = tpu.memref_slice %arg11[%dma_wait3A_153, %dma_wait3A_154] : memref<150x32xf32, #tpu.memory_space<vmem>> -> memref<50x32xf32, #tpu.memory_space<vmem>>
      %dma_wait3A_156 = arith.constant 0 : i32
      %dma_wait3A_157 = tpu.memref_slice %arg8[%add3A_143, %dma_wait3A_156] : memref<128x50xi32, #tpu.memory_space<vmem>> -> memref<1x50xi32, #tpu.memory_space<vmem>>
      %dma_wait3A_158 = tpu.memref_squeeze %dma_wait3A_157 : memref<1x50xi32, #tpu.memory_space<vmem>> -> memref<50xi32, #tpu.memory_space<vmem>>
      %dma_wait3A_159 = arith.constant 0 : i32
      %dma_wait3A_160 = arith.constant 0 : i32
      %dma_wait3A_161 = tpu.memref_slice %arg5[%dma_wait3A_159, %dma_wait3A_160] : memref<1000000x32xf32, #tpu.memory_space<hbm>> -> memref<1000000x32xf32, #tpu.memory_space<hbm>>
      tpu.wait_indirect_dma semaphore(%arg15 : memref<!tpu.dma_semaphore, #tpu.memory_space<semaphore_mem>>) src(%dma_wait3A_161 : memref<1000000x32xf32, #tpu.memory_space<hbm>>) dst(%dma_wait3A_155 : memref<50x32xf32, #tpu.memory_space<vmem>>)
      %dma_wait3A_162 = arith.constant 100 : i32
      %dma_wait3A_163 = arith.constant 0 : i32
      %dma_wait3A_164 = tpu.memref_slice %arg11[%dma_wait3A_162, %dma_wait3A_163] : memref<150x32xf32, #tpu.memory_space<vmem>> -> memref<50x32xf32, #tpu.memory_space<vmem>>
      %dma_wait3A_165 = arith.constant 0 : i32
      %dma_wait3A_166 = tpu.memref_slice %arg9[%add3A_143, %dma_wait3A_165] : memref<128x50xi32, #tpu.memory_space<vmem>> -> memref<1x50xi32, #tpu.memory_space<vmem>>
      %dma_wait3A_167 = tpu.memref_squeeze %dma_wait3A_166 : memref<1x50xi32, #tpu.memory_space<vmem>> -> memref<50xi32, #tpu.memory_space<vmem>>
      %dma_wait3A_168 = arith.constant 0 : i32
      %dma_wait3A_169 = arith.constant 0 : i32
      %dma_wait3A_170 = tpu.memref_slice %arg5[%dma_wait3A_168, %dma_wait3A_169] : memref<1000000x32xf32, #tpu.memory_space<hbm>> -> memref<1000000x32xf32, #tpu.memory_space<hbm>>
      tpu.wait_indirect_dma semaphore(%arg15 : memref<!tpu.dma_semaphore, #tpu.memory_space<semaphore_mem>>) src(%dma_wait3A_170 : memref<1000000x32xf32, #tpu.memory_space<hbm>>) dst(%dma_wait3A_164 : memref<50x32xf32, #tpu.memory_space<vmem>>)
      %ge3A_171 = arith.constant 2 : i32
      %ge3A_172 = arith.cmpi sge, %mul3A_91, %ge3A_171 : i32
      %convert_element_type3A_173 = arith.extui %ge3A_172 : i1 to i32
      %cond3A_174 = arith.constant 0 : i32
      %cond3A_175 = arith.cmpi ne, %convert_element_type3A_173, %cond3A_174 : i32
      scf.if %cond3A_175 {
        %add3A_196 = arith.addi %mul3A_2, %add3A_143 : i32
        %sub3A_197 = arith.constant 2 : i32
        %sub3A_198 = arith.subi %add3A_196, %sub3A_197 : i32
        %dma_wait3A_199 = arith.constant 0 : i32
        %dma_wait3A_200 = arith.constant 0 : i32
        %dma_wait3A_201 = tpu.memref_slice %arg6[%sub3A_198, %dma_wait3A_199, %dma_wait3A_200] : memref<4096x32x150xf32, #tpu.memory_space<hbm>> -> memref<1x32x150xf32, #tpu.memory_space<hbm>>
        %dma_wait3A_202 = tpu.memref_squeeze %dma_wait3A_201 : memref<1x32x150xf32, #tpu.memory_space<hbm>> -> memref<32x150xf32, #tpu.memory_space<hbm>>
        %dma_wait3A_203 = arith.constant 0 : i32
        %dma_wait3A_204 = arith.constant 0 : i32
        %dma_wait3A_205 = tpu.memref_slice %arg6[%sub3A_198, %dma_wait3A_203, %dma_wait3A_204] : memref<4096x32x150xf32, #tpu.memory_space<hbm>> -> memref<1x32x150xf32, #tpu.memory_space<hbm>>
        %dma_wait3A_206 = tpu.memref_squeeze %dma_wait3A_205 : memref<1x32x150xf32, #tpu.memory_space<hbm>> -> memref<32x150xf32, #tpu.memory_space<hbm>>
        tpu.wait_dma2 semaphore(%arg17 : memref<!tpu.dma_semaphore, #tpu.memory_space<semaphore_mem>>) src(%arg13 : memref<32x150xf32, #tpu.memory_space<vmem>>) dst(%dma_wait3A_206 : memref<32x150xf32, #tpu.memory_space<hbm>>)
      } else {
      }
      %scan3A_176 = arith.constant 0 : i32
      %scan3A_177 = arith.constant 0 : i32
      %scan3A_178 = arith.constant 25 : i32
      %scan3A_179 = arith.addi %scan3A_177, %scan3A_178 : i32
      %scan3A_180 = arith.constant 1 : i32
      scf.for %scan3A_196 = %scan3A_177 to %scan3A_179 step %scan3A_180  : i32 {
        %mul3A_197 = arith.constant 6 : i32
        %mul3A_198 = arith.muli %scan3A_196, %mul3A_197 : i32
        %add3A_199 = arith.constant 0 : i32
        %add3A_200 = arith.addi %mul3A_198, %add3A_199 : i32
        %get3A = arith.index_cast %add3A_200 : i32 to index
        %get3A_201 = arith.constant 0 : index
        %get3A_202 = tpu.vector_load %arg11[%get3A, %get3A_201] {strides = array<i32>} : memref<150x32xf32, #tpu.memory_space<vmem>>, vector<16xf32>,
        %get3A_203 = arith.index_cast %add3A_200 : i32 to index
        %get3A_204 = arith.constant 16 : index
        %get3A_205 = tpu.vector_load %arg11[%get3A_203, %get3A_204] {strides = array<i32>} : memref<150x32xf32, #tpu.memory_space<vmem>>, vector<16xf32>,
        %broadcast_in_dim3A = arith.constant 0 : i32
        %broadcast_in_dim3A_206 = vector.broadcast %broadcast_in_dim3A : i32 to vector<16xi32>
        %add3A_207 = vector.broadcast %add3A_200 : i32 to vector<16xi32>
        %add3A_208 = arith.addi %broadcast_in_dim3A_206, %add3A_207 : vector<16xi32>
        tpu.vector_store_idx %arg13[%iota3A, %add3A_208], %get3A_202 : memref<32x150xf32, #tpu.memory_space<vmem>>[vector<16xi32>, vector<16xi32>], vector<16xf32>,
        %add3A_209 = arith.constant 16 : i32
        %add3A_210 = vector.broadcast %add3A_209 : i32 to vector<16xi32>
        %add3A_211 = arith.addi %iota3A, %add3A_210 : vector<16xi32>
        tpu.vector_store_idx %arg13[%add3A_211, %add3A_208], %get3A_205 : memref<32x150xf32, #tpu.memory_space<vmem>>[vector<16xi32>, vector<16xi32>], vector<16xf32>,
        %mul3A_212 = arith.constant 6 : i32
        %mul3A_213 = arith.muli %scan3A_196, %mul3A_212 : i32
        %add3A_214 = arith.constant 1 : i32
        %add3A_215 = arith.addi %mul3A_213, %add3A_214 : i32
        %get3A_216 = arith.index_cast %add3A_215 : i32 to index
        %get3A_217 = arith.constant 0 : index
        %get3A_218 = tpu.vector_load %arg11[%get3A_216, %get3A_217] {strides = array<i32>} : memref<150x32xf32, #tpu.memory_space<vmem>>, vector<16xf32>,
        %get3A_219 = arith.index_cast %add3A_215 : i32 to index
        %get3A_220 = arith.constant 16 : index
        %get3A_221 = tpu.vector_load %arg11[%get3A_219, %get3A_220] {strides = array<i32>} : memref<150x32xf32, #tpu.memory_space<vmem>>, vector<16xf32>,
        %broadcast_in_dim3A_222 = arith.constant 0 : i32
        %broadcast_in_dim3A_223 = vector.broadcast %broadcast_in_dim3A_222 : i32 to vector<16xi32>
        %add3A_224 = vector.broadcast %add3A_215 : i32 to vector<16xi32>
        %add3A_225 = arith.addi %broadcast_in_dim3A_223, %add3A_224 : vector<16xi32>
        tpu.vector_store_idx %arg13[%iota3A, %add3A_225], %get3A_218 : memref<32x150xf32, #tpu.memory_space<vmem>>[vector<16xi32>, vector<16xi32>], vector<16xf32>,
        %add3A_226 = arith.constant 16 : i32
        %add3A_227 = vector.broadcast %add3A_226 : i32 to vector<16xi32>
        %add3A_228 = arith.addi %iota3A, %add3A_227 : vector<16xi32>
        tpu.vector_store_idx %arg13[%add3A_228, %add3A_225], %get3A_221 : memref<32x150xf32, #tpu.memory_space<vmem>>[vector<16xi32>, vector<16xi32>], vector<16xf32>,
        %mul3A_229 = arith.constant 6 : i32
        %mul3A_230 = arith.muli %scan3A_196, %mul3A_229 : i32
        %add3A_231 = arith.constant 2 : i32
        %add3A_232 = arith.addi %mul3A_230, %add3A_231 : i32
        %get3A_233 = arith.index_cast %add3A_232 : i32 to index
        %get3A_234 = arith.constant 0 : index
        %get3A_235 = tpu.vector_load %arg11[%get3A_233, %get3A_234] {strides = array<i32>} : memref<150x32xf32, #tpu.memory_space<vmem>>, vector<16xf32>,
        %get3A_236 = arith.index_cast %add3A_232 : i32 to index
        %get3A_237 = arith.constant 16 : index
        %get3A_238 = tpu.vector_load %arg11[%get3A_236, %get3A_237] {strides = array<i32>} : memref<150x32xf32, #tpu.memory_space<vmem>>, vector<16xf32>,
        %broadcast_in_dim3A_239 = arith.constant 0 : i32
        %broadcast_in_dim3A_240 = vector.broadcast %broadcast_in_dim3A_239 : i32 to vector<16xi32>
        %add3A_241 = vector.broadcast %add3A_232 : i32 to vector<16xi32>
        %add3A_242 = arith.addi %broadcast_in_dim3A_240, %add3A_241 : vector<16xi32>
        tpu.vector_store_idx %arg13[%iota3A, %add3A_242], %get3A_235 : memref<32x150xf32, #tpu.memory_space<vmem>>[vector<16xi32>, vector<16xi32>], vector<16xf32>,
        %add3A_243 = arith.constant 16 : i32
        %add3A_244 = vector.broadcast %add3A_243 : i32 to vector<16xi32>
        %add3A_245 = arith.addi %iota3A, %add3A_244 : vector<16xi32>
        tpu.vector_store_idx %arg13[%add3A_245, %add3A_242], %get3A_238 : memref<32x150xf32, #tpu.memory_space<vmem>>[vector<16xi32>, vector<16xi32>], vector<16xf32>,
        %mul3A_246 = arith.constant 6 : i32
        %mul3A_247 = arith.muli %scan3A_196, %mul3A_246 : i32
        %add3A_248 = arith.constant 3 : i32
        %add3A_249 = arith.addi %mul3A_247, %add3A_248 : i32
        %get3A_250 = arith.index_cast %add3A_249 : i32 to index
        %get3A_251 = arith.constant 0 : index
        %get3A_252 = tpu.vector_load %arg11[%get3A_250, %get3A_251] {strides = array<i32>} : memref<150x32xf32, #tpu.memory_space<vmem>>, vector<16xf32>,
        %get3A_253 = arith.index_cast %add3A_249 : i32 to index
        %get3A_254 = arith.constant 16 : index
        %get3A_255 = tpu.vector_load %arg11[%get3A_253, %get3A_254] {strides = array<i32>} : memref<150x32xf32, #tpu.memory_space<vmem>>, vector<16xf32>,
        %broadcast_in_dim3A_256 = arith.constant 0 : i32
        %broadcast_in_dim3A_257 = vector.broadcast %broadcast_in_dim3A_256 : i32 to vector<16xi32>
        %add3A_258 = vector.broadcast %add3A_249 : i32 to vector<16xi32>
        %add3A_259 = arith.addi %broadcast_in_dim3A_257, %add3A_258 : vector<16xi32>
        tpu.vector_store_idx %arg13[%iota3A, %add3A_259], %get3A_252 : memref<32x150xf32, #tpu.memory_space<vmem>>[vector<16xi32>, vector<16xi32>], vector<16xf32>,
        %add3A_260 = arith.constant 16 : i32
        %add3A_261 = vector.broadcast %add3A_260 : i32 to vector<16xi32>
        %add3A_262 = arith.addi %iota3A, %add3A_261 : vector<16xi32>
        tpu.vector_store_idx %arg13[%add3A_262, %add3A_259], %get3A_255 : memref<32x150xf32, #tpu.memory_space<vmem>>[vector<16xi32>, vector<16xi32>], vector<16xf32>,
        %mul3A_263 = arith.constant 6 : i32
        %mul3A_264 = arith.muli %scan3A_196, %mul3A_263 : i32
        %add3A_265 = arith.constant 4 : i32
        %add3A_266 = arith.addi %mul3A_264, %add3A_265 : i32
        %get3A_267 = arith.index_cast %add3A_266 : i32 to index
        %get3A_268 = arith.constant 0 : index
        %get3A_269 = tpu.vector_load %arg11[%get3A_267, %get3A_268] {strides = array<i32>} : memref<150x32xf32, #tpu.memory_space<vmem>>, vector<16xf32>,
        %get3A_270 = arith.index_cast %add3A_266 : i32 to index
        %get3A_271 = arith.constant 16 : index
        %get3A_272 = tpu.vector_load %arg11[%get3A_270, %get3A_271] {strides = array<i32>} : memref<150x32xf32, #tpu.memory_space<vmem>>, vector<16xf32>,
        %broadcast_in_dim3A_273 = arith.constant 0 : i32
        %broadcast_in_dim3A_274 = vector.broadcast %broadcast_in_dim3A_273 : i32 to vector<16xi32>
        %add3A_275 = vector.broadcast %add3A_266 : i32 to vector<16xi32>
        %add3A_276 = arith.addi %broadcast_in_dim3A_274, %add3A_275 : vector<16xi32>
        tpu.vector_store_idx %arg13[%iota3A, %add3A_276], %get3A_269 : memref<32x150xf32, #tpu.memory_space<vmem>>[vector<16xi32>, vector<16xi32>], vector<16xf32>,
        %add3A_277 = arith.constant 16 : i32
        %add3A_278 = vector.broadcast %add3A_277 : i32 to vector<16xi32>
        %add3A_279 = arith.addi %iota3A, %add3A_278 : vector<16xi32>
        tpu.vector_store_idx %arg13[%add3A_279, %add3A_276], %get3A_272 : memref<32x150xf32, #tpu.memory_space<vmem>>[vector<16xi32>, vector<16xi32>], vector<16xf32>,
        %mul3A_280 = arith.constant 6 : i32
        %mul3A_281 = arith.muli %scan3A_196, %mul3A_280 : i32
        %add3A_282 = arith.constant 5 : i32
        %add3A_283 = arith.addi %mul3A_281, %add3A_282 : i32
        %get3A_284 = arith.index_cast %add3A_283 : i32 to index
        %get3A_285 = arith.constant 0 : index
        %get3A_286 = tpu.vector_load %arg11[%get3A_284, %get3A_285] {strides = array<i32>} : memref<150x32xf32, #tpu.memory_space<vmem>>, vector<16xf32>,
        %get3A_287 = arith.index_cast %add3A_283 : i32 to index
        %get3A_288 = arith.constant 16 : index
        %get3A_289 = tpu.vector_load %arg11[%get3A_287, %get3A_288] {strides = array<i32>} : memref<150x32xf32, #tpu.memory_space<vmem>>, vector<16xf32>,
        %broadcast_in_dim3A_290 = arith.constant 0 : i32
        %broadcast_in_dim3A_291 = vector.broadcast %broadcast_in_dim3A_290 : i32 to vector<16xi32>
        %add3A_292 = vector.broadcast %add3A_283 : i32 to vector<16xi32>
        %add3A_293 = arith.addi %broadcast_in_dim3A_291, %add3A_292 : vector<16xi32>
        tpu.vector_store_idx %arg13[%iota3A, %add3A_293], %get3A_286 : memref<32x150xf32, #tpu.memory_space<vmem>>[vector<16xi32>, vector<16xi32>], vector<16xf32>,
        %add3A_294 = arith.constant 16 : i32
        %add3A_295 = vector.broadcast %add3A_294 : i32 to vector<16xi32>
        %add3A_296 = arith.addi %iota3A, %add3A_295 : vector<16xi32>
        tpu.vector_store_idx %arg13[%add3A_296, %add3A_293], %get3A_289 : memref<32x150xf32, #tpu.memory_space<vmem>>[vector<16xi32>, vector<16xi32>], vector<16xf32>,
      }
      %scan3A_181 = arith.constant 25 : i32
      %add3A_182 = arith.addi %mul3A_2, %add3A_143 : i32
      %dma_start3A_183 = arith.constant 0 : i32
      %dma_start3A_184 = arith.constant 0 : i32
      %dma_start3A_185 = tpu.memref_slice %arg6[%add3A_182, %dma_start3A_183, %dma_start3A_184] : memref<4096x32x150xf32, #tpu.memory_space<hbm>> -> memref<1x32x150xf32, #tpu.memory_space<hbm>>
      %dma_start3A_186 = tpu.memref_squeeze %dma_start3A_185 : memref<1x32x150xf32, #tpu.memory_space<hbm>> -> memref<32x150xf32, #tpu.memory_space<hbm>>
      %dma_start3A_187 = arith.constant 0 : i32
      %dma_start3A_188 = arith.constant 0 : i32
      %dma_start3A_189 = tpu.memref_slice %arg6[%add3A_182, %dma_start3A_187, %dma_start3A_188] : memref<4096x32x150xf32, #tpu.memory_space<hbm>> -> memref<1x32x150xf32, #tpu.memory_space<hbm>>
      %dma_start3A_190 = tpu.memref_squeeze %dma_start3A_189 : memref<1x32x150xf32, #tpu.memory_space<hbm>> -> memref<32x150xf32, #tpu.memory_space<hbm>>
      tpu.enqueue_dma source(%arg13 : memref<32x150xf32, #tpu.memory_space<vmem>>) target(%dma_start3A_190 : memref<32x150xf32, #tpu.memory_space<hbm>>) target_semaphore(%arg17 : memref<!tpu.dma_semaphore, #tpu.memory_space<semaphore_mem>>)
      %lt3A_191 = arith.constant 63 : i32
      %lt3A_192 = arith.cmpi slt, %scan3A_89, %lt3A_191 : i32
      %convert_element_type3A_193 = arith.extui %lt3A_192 : i1 to i32
      %cond3A_194 = arith.constant 0 : i32
      %cond3A_195 = arith.cmpi ne, %convert_element_type3A_193, %cond3A_194 : i32
      scf.if %cond3A_195 {
        %add3A_196 = arith.constant 2 : i32
        %add3A_197 = arith.addi %add3A_143, %add3A_196 : i32
        %dma_start3A_198 = arith.constant 0 : i32
        %dma_start3A_199 = arith.constant 0 : i32
        %dma_start3A_200 = tpu.memref_slice %arg11[%dma_start3A_198, %dma_start3A_199] : memref<150x32xf32, #tpu.memory_space<vmem>> -> memref<50x32xf32, #tpu.memory_space<vmem>>
        %dma_start3A_201 = arith.constant 0 : i32
        %dma_start3A_202 = tpu.memref_slice %arg7[%add3A_197, %dma_start3A_201] : memref<128x50xi32, #tpu.memory_space<vmem>> -> memref<1x50xi32, #tpu.memory_space<vmem>>
        %dma_start3A_203 = tpu.memref_squeeze %dma_start3A_202 : memref<1x50xi32, #tpu.memory_space<vmem>> -> memref<50xi32, #tpu.memory_space<vmem>>
        %dma_start3A_204 = arith.constant 0 : i32
        %dma_start3A_205 = arith.constant 0 : i32
        %dma_start3A_206 = tpu.memref_slice %arg5[%dma_start3A_204, %dma_start3A_205] : memref<1000000x32xf32, #tpu.memory_space<hbm>> -> memref<1000000x32xf32, #tpu.memory_space<hbm>>
        tpu.enqueue_indirect_dma source(%dma_start3A_206 : memref<1000000x32xf32, #tpu.memory_space<hbm>>) target(%dma_start3A_200 : memref<50x32xf32, #tpu.memory_space<vmem>>) offsets(%dma_start3A_203 : memref<50xi32, #tpu.memory_space<vmem>>) semaphore(%arg15 : memref<!tpu.dma_semaphore, #tpu.memory_space<semaphore_mem>>)
        %dma_start3A_207 = arith.constant 50 : i32
        %dma_start3A_208 = arith.constant 0 : i32
        %dma_start3A_209 = tpu.memref_slice %arg11[%dma_start3A_207, %dma_start3A_208] : memref<150x32xf32, #tpu.memory_space<vmem>> -> memref<50x32xf32, #tpu.memory_space<vmem>>
        %dma_start3A_210 = arith.constant 0 : i32
        %dma_start3A_211 = tpu.memref_slice %arg8[%add3A_197, %dma_start3A_210] : memref<128x50xi32, #tpu.memory_space<vmem>> -> memref<1x50xi32, #tpu.memory_space<vmem>>
        %dma_start3A_212 = tpu.memref_squeeze %dma_start3A_211 : memref<1x50xi32, #tpu.memory_space<vmem>> -> memref<50xi32, #tpu.memory_space<vmem>>
        %dma_start3A_213 = arith.constant 0 : i32
        %dma_start3A_214 = arith.constant 0 : i32
        %dma_start3A_215 = tpu.memref_slice %arg5[%dma_start3A_213, %dma_start3A_214] : memref<1000000x32xf32, #tpu.memory_space<hbm>> -> memref<1000000x32xf32, #tpu.memory_space<hbm>>
        tpu.enqueue_indirect_dma source(%dma_start3A_215 : memref<1000000x32xf32, #tpu.memory_space<hbm>>) target(%dma_start3A_209 : memref<50x32xf32, #tpu.memory_space<vmem>>) offsets(%dma_start3A_212 : memref<50xi32, #tpu.memory_space<vmem>>) semaphore(%arg15 : memref<!tpu.dma_semaphore, #tpu.memory_space<semaphore_mem>>)
        %dma_start3A_216 = arith.constant 100 : i32
        %dma_start3A_217 = arith.constant 0 : i32
        %dma_start3A_218 = tpu.memref_slice %arg11[%dma_start3A_216, %dma_start3A_217] : memref<150x32xf32, #tpu.memory_space<vmem>> -> memref<50x32xf32, #tpu.memory_space<vmem>>
        %dma_start3A_219 = arith.constant 0 : i32
        %dma_start3A_220 = tpu.memref_slice %arg9[%add3A_197, %dma_start3A_219] : memref<128x50xi32, #tpu.memory_space<vmem>> -> memref<1x50xi32, #tpu.memory_space<vmem>>
        %dma_start3A_221 = tpu.memref_squeeze %dma_start3A_220 : memref<1x50xi32, #tpu.memory_space<vmem>> -> memref<50xi32, #tpu.memory_space<vmem>>
        %dma_start3A_222 = arith.constant 0 : i32
        %dma_start3A_223 = arith.constant 0 : i32
        %dma_start3A_224 = tpu.memref_slice %arg5[%dma_start3A_222, %dma_start3A_223] : memref<1000000x32xf32, #tpu.memory_space<hbm>> -> memref<1000000x32xf32, #tpu.memory_space<hbm>>
        tpu.enqueue_indirect_dma source(%dma_start3A_224 : memref<1000000x32xf32, #tpu.memory_space<hbm>>) target(%dma_start3A_218 : memref<50x32xf32, #tpu.memory_space<vmem>>) offsets(%dma_start3A_221 : memref<50xi32, #tpu.memory_space<vmem>>) semaphore(%arg15 : memref<!tpu.dma_semaphore, #tpu.memory_space<semaphore_mem>>)
      } else {
      }
    }
    %scan3A_66 = arith.constant 64 : i32
    %add3A_67 = arith.constant 128 : i32
    %add3A_68 = arith.addi %mul3A_2, %add3A_67 : i32
    %sub3A = arith.constant 2 : i32
    %sub3A_69 = arith.subi %add3A_68, %sub3A : i32
    %dma_wait3A = arith.constant 0 : i32
    %dma_wait3A_70 = arith.constant 0 : i32
    %dma_wait3A_71 = tpu.memref_slice %arg6[%sub3A_69, %dma_wait3A, %dma_wait3A_70] : memref<4096x32x150xf32, #tpu.memory_space<hbm>> -> memref<1x32x150xf32, #tpu.memory_space<hbm>>
    %dma_wait3A_72 = tpu.memref_squeeze %dma_wait3A_71 : memref<1x32x150xf32, #tpu.memory_space<hbm>> -> memref<32x150xf32, #tpu.memory_space<hbm>>
    %dma_wait3A_73 = arith.constant 0 : i32
    %dma_wait3A_74 = arith.constant 0 : i32
    %dma_wait3A_75 = tpu.memref_slice %arg6[%sub3A_69, %dma_wait3A_73, %dma_wait3A_74] : memref<4096x32x150xf32, #tpu.memory_space<hbm>> -> memref<1x32x150xf32, #tpu.memory_space<hbm>>
    %dma_wait3A_76 = tpu.memref_squeeze %dma_wait3A_75 : memref<1x32x150xf32, #tpu.memory_space<hbm>> -> memref<32x150xf32, #tpu.memory_space<hbm>>
    tpu.wait_dma2 semaphore(%arg16 : memref<!tpu.dma_semaphore, #tpu.memory_space<semaphore_mem>>) src(%arg12 : memref<32x150xf32, #tpu.memory_space<vmem>>) dst(%dma_wait3A_76 : memref<32x150xf32, #tpu.memory_space<hbm>>)
    %add3A_77 = arith.constant 128 : i32
    %add3A_78 = arith.addi %mul3A_2, %add3A_77 : i32
    %sub3A_79 = arith.constant 1 : i32
    %sub3A_80 = arith.subi %add3A_78, %sub3A_79 : i32
    %dma_wait3A_81 = arith.constant 0 : i32
    %dma_wait3A_82 = arith.constant 0 : i32
    %dma_wait3A_83 = tpu.memref_slice %arg6[%sub3A_80, %dma_wait3A_81, %dma_wait3A_82] : memref<4096x32x150xf32, #tpu.memory_space<hbm>> -> memref<1x32x150xf32, #tpu.memory_space<hbm>>
    %dma_wait3A_84 = tpu.memref_squeeze %dma_wait3A_83 : memref<1x32x150xf32, #tpu.memory_space<hbm>> -> memref<32x150xf32, #tpu.memory_space<hbm>>
    %dma_wait3A_85 = arith.constant 0 : i32
    %dma_wait3A_86 = arith.constant 0 : i32
    %dma_wait3A_87 = tpu.memref_slice %arg6[%sub3A_80, %dma_wait3A_85, %dma_wait3A_86] : memref<4096x32x150xf32, #tpu.memory_space<hbm>> -> memref<1x32x150xf32, #tpu.memory_space<hbm>>
    %dma_wait3A_88 = tpu.memref_squeeze %dma_wait3A_87 : memref<1x32x150xf32, #tpu.memory_space<hbm>> -> memref<32x150xf32, #tpu.memory_space<hbm>>
    tpu.wait_dma2 semaphore(%arg17 : memref<!tpu.dma_semaphore, #tpu.memory_space<semaphore_mem>>) src(%arg13 : memref<32x150xf32, #tpu.memory_space<vmem>>) dst(%dma_wait3A_88 : memref<32x150xf32, #tpu.memory_space<hbm>>)
    return
  }
}

</mosaic_0001>

<sc_bundles>
// kernel: kernel.3.cloned.1.call-start
scs
__scs_entry_jumppad:
0x0: {  	(pc) =	sbr.rel $0x88, $3  }
0x1: {  	(tag) =	ssettag $0x0;
	lr =	simm.s32 $0x1  }
0x2: {  	[smem:$0x3F9D] =	sst lr;
	_ =	strace $0xD0000000  }
0x3: {  	_ = 	snop  }
0x4: {  	_ = 	snop  }
0x5: {  	_ = 	snop  }
0x6: {  	_ = 	snop  }
0x7: {  	_ = 	snop  }
__scs_overlays_trampoline_lowered:
0x8: {  	[smem:$0x3FAC] =	sst s0  }
0x9: {  	[smem:$0x3FAD] =	sst s1  }
0xa: {  	[smem:$0x3FAE] =	sst s2  }
0xb: {  	[smem:$0x3FAF] =	sst s3  }
0xc: {  	[smem:$0x3FB0] =	sst s4  }
0xd: {  	[smem:$0x3FB1] =	sst s5  }
0xe: {  	[smem:$0x3FB2] =	sst s6  }
0xf: {  	[smem:$0x3FB3] =	sst s7  }
0x10: {  	[smem:$0x3FB4] =	sst s8  }
0x11: {  	[smem:$0x3FB5] =	sst s9;
	s0 =	simm.s32 @!p0 $0x0  }
0x12: {  	s1 =	sld [smem:$0x3F9B];
	s0 =	simm.s32 @p0 $0x1  }
0x13: {  	[smem:$0x3FB6] =	sst s0;
	s0 =	simm.s32 @!p1 $0x0  }
0x14: {  	s2 =	sld [smem:$0x3F9A];
	s0 =	simm.s32 @p1 $0x1  }
0x15: {  	[smem:$0x3FB7] =	sst s0;
	s0 =	simm.s32 @!p2 $0x0  }
0x16: {  	s3 =	sld [smem:$0x3FDB];
	s0 =	simm.s32 @p2 $0x1  }
0x17: {  	s4 =	simm.s32 $0x1BF5;
	[smem:$0x3FB9] =	sst s0  }
0x18: {  	s0 =	sld [smem:$0x3F9C];
	_ =	swait.ge [sflag:s4], $0x0  }
0x19: {  	s7 =	sld [smem:$0x3F9D]  }
0x1a: {  	s8 =	sadd.s32 $0xFFFFE003, lr  }
0x1b: {  	s9 =	sadd.s32 $0xFFFFFEF7, lr;
	s5 =	simm.s32 $0xFFFFFFFF;
	p2 =	slt.u32 s8, $0xFFFFF086  }
0x1c: {  	p1 =	slt.u32 s9, $0xF7A;
	s5 =	simm.s32 @!p2 $0x0  }
0x1d: {  	s5 =	simm.s32 @p1 $0x1;
	p0 =	seq.s32 s7, s2  }
0x1e: {  	s7 =	smul.u32 @!p0 $0xF7A, s2;
	p2 =	seq.s32 @!p0 s5, $0x0  }
0x1f: {  	s9 =	smul.u32 $0xF7A, s1;
	s8 =	simm.s32 @!p0 $0x1BF5;
	p2 =	por !p2, p0  }
0x20: {  	[sflag:s8] =	ssyncset.s32 @!p0 $0xFFFFF086;
	s6 =	sadd.s32 @!p0 s3, s7;
	s7 =	simm.s32 @!p0 $0x108  }
0x21: {  	s3 =	sadd.s32 s3, s9;
	s6 =	sadd.s32 @!p0 $0x88, s6;
	s7 =	simm.s32 @p2 $0x1082  }
0x22: {  	[simem:s7], [sflag:s8] =	dma.local @!p0 [hbm:s6], $0xF7A  }
0x23: {  	s9 =	sor.u32 $0xD0000000, s2;
	s6 =	simm.s32 $0x108;
	_ =	swait.ge @!p0 [sflag:s8], $0x0  }
0x24: {  	s3 =	sadd.s32 $0x88, s3;
	s6 =	simm.s32 @!p1 $0x1082;
	[sflag:s4] =	ssyncset.s32 $0xFFFFF086  }
0x25: {  	[simem:s6], [sflag:s4] =	dma.local [hbm:s3], $0xF7A  }
0x26: {  	[smem:$0x3F9D] =	sst s1;
	(tag) =	ssettag s2;
	_ =	strace s9  }
0x27: {  	s1 =	sld [smem:$0x3FAD]  }
0x28: {  	s2 =	sld [smem:$0x3FAE]  }
0x29: {  	s4 =	sld [smem:$0x3FB0]  }
0x2a: {  	p0 =	seq.s32 s5, $0x0;
	s5 =	sld [smem:$0x3FB1]  }
0x2b: {  	s6 =	sld [smem:$0x3FB2]  }
0x2c: {  	s7 =	sld [smem:$0x3FB3]  }
0x2d: {  	s3 =	simm.s32 $0x108;
	s8 =	sld [smem:$0x3FB4]  }
0x2e: {  	s3 =	simm.s32 @!p0 $0x1082;
	s9 =	sld [smem:$0x3FB5]  }
0x2f: {  	lr =	sadd.s32 s0, s3;
	s0 =	sld [smem:$0x3FAC]  }
0x30: {  	s3 =	sld [smem:$0x3FAF]  }
0x31: {  	[smem:$0x3FB8] =	sst s10  }
0x32: {  	s10 =	sld [smem:$0x3FB6];
	_ =	sdelay $0x3  }
0x33: {  	p0 =	seq.s32 s10, $0x1;
	s10 =	sld [smem:$0x3FB8];
	_ =	sdelay $0x3  }
0x34: {  	[smem:$0x3FB8] =	sst s10  }
0x35: {  	s10 =	sld [smem:$0x3FB7];
	_ =	sdelay $0x3  }
0x36: {  	p1 =	seq.s32 s10, $0x1;
	s10 =	sld [smem:$0x3FB8];
	_ =	sdelay $0x3  }
0x37: {  	[smem:$0x3FB8] =	sst s10  }
0x38: {  	s10 =	sld [smem:$0x3FB9]  }
0x39: {  	_ = 	snop;
	(pc) =	sbr.ind lr, $3  }
0x3a: {  	_ = 	snop  }
0x3b: {  	_ = 	snop  }
0x3c: {  	p2 =	seq.s32 s10, $0x1;
	s10 =	sld [smem:$0x3FB8]  }
0x3d: {  	_ =	shalt  }
0x3e: {  	_ =	shalt  }
0x3f: {  	_ =	shalt  }
0x40: {  	_ =	shalt  }
0x41: {  	_ =	shalt  }
0x42: {  	_ =	shalt  }
0x43: {  	_ =	shalt  }
0x44: {  	_ =	shalt  }
0x45: {  	_ =	shalt  }
0x46: {  	_ =	shalt  }
0x47: {  	_ =	shalt  }
0x48: {  	_ =	shalt  }
0x49: {  	_ =	shalt  }
0x4a: {  	_ =	shalt  }
0x4b: {  	_ =	shalt  }
0x4c: {  	_ =	shalt  }
0x4d: {  	_ =	shalt  }
0x4e: {  	_ =	shalt  }
0x4f: {  	_ =	shalt  }
0x50: {  	_ =	shalt  }
0x51: {  	_ =	shalt  }
0x52: {  	_ =	shalt  }
0x53: {  	_ =	shalt  }
0x54: {  	_ =	shalt  }
0x55: {  	_ =	shalt  }
0x56: {  	_ =	shalt  }
0x57: {  	_ =	shalt  }
0x58: {  	_ =	shalt  }
0x59: {  	_ =	shalt  }
0x5a: {  	_ =	shalt  }
0x5b: {  	_ =	shalt  }
0x5c: {  	_ =	shalt  }
0x5d: {  	_ =	shalt  }
0x5e: {  	_ =	shalt  }
0x5f: {  	_ =	shalt  }
0x60: {  	_ =	shalt  }
0x61: {  	_ =	shalt  }
0x62: {  	_ =	shalt  }
0x63: {  	_ =	shalt  }
0x64: {  	_ =	shalt  }
0x65: {  	_ =	shalt  }
0x66: {  	_ =	shalt  }
0x67: {  	_ =	shalt  }
0x68: {  	_ =	shalt  }
0x69: {  	_ =	shalt  }
0x6a: {  	_ =	shalt  }
0x6b: {  	_ =	shalt  }
0x6c: {  	_ =	shalt  }
0x6d: {  	_ =	shalt  }
0x6e: {  	_ =	shalt  }
0x6f: {  	_ =	shalt  }
0x70: {  	_ =	shalt  }
0x71: {  	_ =	shalt  }
0x72: {  	_ =	shalt  }
0x73: {  	_ =	shalt  }
0x74: {  	_ =	shalt  }
0x75: {  	_ =	shalt  }
0x76: {  	_ =	shalt  }
0x77: {  	_ =	shalt  }
0x78: {  	_ =	shalt  }
0x79: {  	_ =	shalt  }
0x7a: {  	_ =	shalt  }
0x7b: {  	_ =	shalt  }
0x7c: {  	_ =	shalt  }
0x7d: {  	_ =	shalt  }
0x7e: {  	_ =	shalt  }
0x7f: {  	_ =	shalt  }
0x80: {  	_ =	shalt  }
0x81: {  	_ =	shalt  }
0x82: {  	_ =	shalt  }
0x83: {  	_ =	shalt  }
0x84: {  	_ =	shalt  }
0x85: {  	_ =	shalt  }
0x86: {  	_ =	shalt  }
0x87: {  	_ =	shalt  }
.Lfunc_end0:
.L_simem_size_0:
called_computation.1_lowered:
.L_overlay_start_0:
0x88: {  	s2 =	sld [smem:$0x3FD9]  }
0x89: {  	s3 =	sld [smem:$0x3FFE];
	_ =	sdelay $0x1  }
0x8a: {  	s1 =	srdreg.scid  }
0x8b: {  	s0 =	sand.u32 $0x1, s1  }
0x8c: {  	s17 =	sshll.u32 s0, $0xA;
	s2 =	sadd.s32 s3, s2  }
0x8d: {  	s2 =	sadd.s32 s2, s17  }
0x8e: {  	[smem:$0x3FC4] =	sst s2  }
0x8f: {  	_ = 	snop  }
0x90: {  	s2 =	sld [smem:$0x3FD0];
	(tm) =	ssettm $0x1  }
0x91: {  	s18 =	sld [smem:$0x3FFB];
	_ =	sdelay $0x3  }
0x92: {  	_ =	strace s18  }
0x93: {  	s3 =	sld [smem:$0x3FFC];
	_ =	sdelay $0x3  }
0x94: {  	_ =	strace s3  }
0x95: {  	s3 =	sld [smem:$0x3FFD];
	_ =	sdelay $0x3  }
0x96: {  	_ =	strace s3  }
0x97: {  	_ =	strace $0x8FFFFFFF  }
0x98: {  	s19 =	sld [smem:$0x3FDB];
	_ =	sdelay $0x1  }
0x99: {  	s4 =	simm.s32 $_scs_section_size  }
0x9a: {  	s5 =	simm.s32 $_size__tile_overlayer_lowered;
	s6 =	simm.s32 $_tile_overlayer_lowered  }
0x9b: {  	s22 =	simm.s32 $0x1BFF;
	s21 =	sshll.u32 s6, $0x1;
	s3 =	sadd.s32 s4, s19  }
0x9c: {  	s7 =	simm.s32 $0x0;
	s20 =	sshll.u32 s5, $0x1;
	s5 =	sadd.s32 s21, s3  }
0x9d: {  	[timem:s7], [sflag:s22] =	dma.local [hbm:s5], s20  }
0x9e: {  	_ =	swait.ge [sflag:s22], s20  }
0x9f: {  	s4 =	ssub.s32 $0x0, s20;
	[sflag:s22] =	ssyncset.done $0x0  }
0xa0: {  	[sflag:s22] =	ssyncadd.s32 s4;
	_ =	sdelay $0x1  }
0xa1: {  	s23 =	simm.s32 $0x1B8B  }
0xa2: {  	_ =	swait.ge [sflag:s23], $0x1  }
0xa3: {  	[sflag:s23] =	ssyncset.done $0x0  }
0xa4: {  	s25 =	simm.s32 $0x1B8E;
	s24 =	sld [smem:$0x3FFE];
	[sflag:s23] =	ssyncadd.s32 $0xFFFFFFFF  }
0xa5: {  	s26 =	simm.s32 $execute0_lowered;
	[smem:$0x3FD2] =	sst s25  }
0xa6: {  	s5 =	sshll.u32 s26, $0x1;
	_ =	strace $0x80000046;
	[dreg:$0x1] =	wrdreg $0xFFFFFFFF  }
0xa7: {  	s28 =	simm.s32 $_size_execute0_lowered;
	s3 =	sadd.s32 s3, s5;
	[dreg:$0x0] =	wrdreg $0x0  }
0xa8: {  	s5 =	sshll.u32 s28, $0x1;
	[dreg:$0x2] =	wrdreg s3  }
0xa9: {  	[dreg:$0x3] =	wrdreg s5  }
0xaa: {  	[dreg:$0x4] =	wrdreg $0xC0  }
0xab: {  	_ =	task [dreg:s7], $0x5FFFF  }
0xac: {  	[dreg:$0x1] =	wrdreg $0xFFFFFFFF  }
0xad: {  	[dreg:$0x0] =	wrdreg $0x60  }
0xae: {  	[dreg:$0x2] =	wrdreg s2  }
0xaf: {  	[dreg:$0x3] =	wrdreg s24  }
0xb0: {  	[dreg:$0x4] =	wrdreg $0x9  }
0xb1: {  	_ =	task.clear_ibuf [dreg:s7], $0x5FFFF;
	_ =	strace $0x90000046  }
0xb2: {  	s29 =	simm.s32 $0x9;
	_ =	strace $0x80000048  }
0xb3: {  	_ =	swait.ge [sflag:s29], $0x1  }
0xb4: {  	[sflag:s29] =	ssyncadd.s32 $0xFFFFFFFF  }
0xb5: {  	_ =	strace $0x90000048  }
0xb6: {  	_ =	sfence  }
0xb7: {  	s30 =	sld [smem:$0x0];
	_ =	sdelay $0x2  }
0xb8: {  	s31 =	sshll.u32 s1, $0xD;
	s1 =	sshrl.u32 s1, $0x2  }
0xb9: {  	s3 =	sand.u32 $0x4000, s31;
	s1 =	sadd.s32 s1, s30  }
0xba: {  	s0 =	sor.u32 s3, s0;
	s1 =	sshll.u32 s1, $0x11  }
0xbb: {  	s0 =	sor.u32 s1, s0  }
0xbc: {  	s0 =	sadd.s32 $0x8F2B, s0  }
0xbd: {  	[sflag:s0] =	ssyncadd.remote.s32 $0x1  }
0xbe: {  	_ =	sfence.sel $0xFFFF  }
0xbf: {  	[dreg:$0x0] =	wrdreg $0xFFFFFFFF;
	(pc) =	sbr.abs _section_cstart, $3  }
0xc0: {  	[dreg:$0x1] =	wrdreg $0xFFFFFFFF  }
0xc1: {  	_ =	task.clear_ibuf [dreg:s7], $0x2FFFF;
	_ =	strace $0x9FFFFFFF  }
0xc2: {  	(tm) =	ssettm $0x7FFFFFFF  }
0xc3: {  	_ =	shalt  }
tec
execute0_lowered:
.L_overlay_start_1:
0x0: {  	(tag) =	ssettag $0x1  }
0x1: {  	s0 =	srdreg.scid  }
0x2: {  	s2 =	stileid.u32;
	s1 =	rddreg [dreg:$0x0]  }
0x3: {  	s5 =	rddreg [dreg:$0x1];
	s10 =	simm.s32 $0x5;
	s11 =	simm.s32 $0x1C00  }
0x4: {  	s12 =	simm.s32 $0x3800;
	s13 =	simm.s32 $0x32;
	s18 =	simm.s32 $0x66C0  }
0x5: {  	s19 =	simm.s32 $0x1C38;
	s20 =	simm.s32 $0x6D00;
	s21 =	simm.s32 $0x3838  }
0x6: {  	s22 =	simm.s32 $0x7340;
	s23 =	simm.s32 $0x1;
	s24 =	simm.s32 $0x7980  }
0x7: {  	s25 =	simm.s32 $0x2;
	s26 =	simm.s32 $0x8C80;
	s28 =	simm.s32 $0x3  }
0x8: {  	s29 =	simm.s32 $0x4;
	s30 =	simm.s32 $0x0;
	s0 =	sand.u32 $0x1, s0  }
0x9: {  	s2 =	sshll.u32 s2, $0x8;
	s3 =	sshll.u32 s0, $0x7;
	s0 =	ssub.s32 $0x2, s0  }
.Ltmp0:
0xa: {  	s2 =	sor.u32 s3, s2;
	s3 =	simm.s32 $0x0;
	(pc) =	sbr.rel .LBB2_1-.Ltmp0, $4  }
0xb: {  	v0 =	vlaneseq.u32;
	s7 =	sshrl.u32 s0, $0x1;
	s6 =	smul.u32 $0x7, s2;
	[smem:$0x7FF] =	sst s3  }
0xc: {  	s4 =	sadd.s32 $0xF43200, s5;
	v0 =	vmul.u32 $0x98, v0;
	s0 =	ssub.s32 s0, s7;
	_ =	strace $0x80000047  }
0xd: {  	s9 =	smax.u32 s0, $0x1;
	s8 =	sadd.s32 s6, s5;
	s5 =	sadd.s32 $0xEE00, s5  }
0xe: {  	v1 =	vadd.s32 $0x980, v0;
	s6 =	sadd.s32 s1, s6;
	s7 =	sadd.s32 $0x7E00, s8;
	s8 =	sadd.s32 $0xE00, s8  }
.LBB2_8:
0xf: {  	s30 =	sadd.s32 $0x1, s30  }
0x10: {  	_ =	swait.ge [sflag:s28], $0x1300;
	p0 =	sne.s32 s30, s9  }
.Ltmp1:
0x11: {  	[sflag:s28] =	ssyncset.done $0x0;
	(pc) =	sbr.rel @!p0 .LBB2_9-.Ltmp1, $4  }
0x12: {  	[sflag:s28] =	ssyncadd.s32 $0xFFFFED00  }
0x13: {  	_ =	swait.ge [sflag:s29], $0x1300  }
0x14: {  	[sflag:s29] =	ssyncset.done $0x0  }
0x15: {  	[sflag:s29] =	ssyncadd.s32 $0xFFFFED00  }
.LBB2_1:
0x16: {  	[tilespmem:s3], [sflag:$0x5] =	stream.linear.gather [hbm4b:s6+s3], $0x1C00, $0x38;
	[tilespmem:$0x9F80] =	vst v63  }
0x17: {  	_ =	swait.ge [sflag:s10], $0x1C00  }
0x18: {  	[sflag:s10] =	ssyncset.done $0x0  }
0x19: {  	[sflag:s10] =	ssyncadd.s32 $0xFFFFE400  }
0x1a: {  	[tilespmem:s11], [sflag:$0x5] =	stream.linear.gather [hbm4b:s7+s3], $0x1C00, $0x38;
	[tilespmem:$0x9F80] =	vst v63  }
0x1b: {  	_ =	swait.ge [sflag:s10], $0x1C00  }
0x1c: {  	[sflag:s10] =	ssyncset.done $0x0  }
0x1d: {  	[sflag:s10] =	ssyncadd.s32 $0xFFFFE400  }
0x1e: {  	[tilespmem:s12], [sflag:$0x5] =	stream.linear.gather [hbm4b:s8+s3], $0x1C00, $0x38;
	[tilespmem:$0x9F80] =	vst v63  }
0x1f: {  	_ =	swait.ge [sflag:s10], $0x1C00  }
0x20: {  	[sflag:s10] =	ssyncset.done $0x0  }
0x21: {  	s0 =	simm.s32 $0x5400;
	[sflag:s10] =	ssyncadd.s32 $0xFFFFE400  }
0x22: {  	[tilespmem:s0], [sflag:$0x1] =	stream.indirect.gather [hbm4b:s4+s13], $0x20, s3, s13, $0xb8;
	[tilespmem:$0x9F80] =	vst v63  }
0x23: {  	s15 =	simm.s32 $0x5A40  }
0x24: {  	[tilespmem:s15], [sflag:$0x1] =	stream.indirect.gather [hbm4b:s4+s13], $0x20, s11, s13, $0xb8;
	[tilespmem:$0x9F80] =	vst v63  }
0x25: {  	s16 =	simm.s32 $0x6080  }
0x26: {  	[tilespmem:s16], [sflag:$0x1] =	stream.indirect.gather [hbm4b:s4+s13], $0x20, s12, s13, $0xb8;
	[tilespmem:$0x9F80] =	vst v63  }
0x27: {  	s17 =	simm.s32 $0x38  }
0x28: {  	[tilespmem:s18], [sflag:$0x2] =	stream.indirect.gather [hbm4b:s4+s13], $0x20, s17, s13, $0xb8;
	[tilespmem:$0x9F80] =	vst v63  }
0x29: {  	_ = 	snop  }
0x2a: {  	[tilespmem:s20], [sflag:$0x2] =	stream.indirect.gather [hbm4b:s4+s13], $0x20, s19, s13, $0xb8;
	[tilespmem:$0x9F80] =	vst v63  }
0x2b: {  	s31 =	simm.s32 $0x0  }
0x2c: {  	[tilespmem:s22], [sflag:$0x2] =	stream.indirect.gather [hbm4b:s4+s13], $0x20, s21, s13, $0xb8;
	[tilespmem:$0x9F80] =	vst v63  }
.LBB2_2:
0x2d: {  	_ =	swait.ge [sflag:s23], $0x640  }
0x2e: {  	[sflag:s23] =	ssyncset.done $0x0  }
0x2f: {  	[sflag:s23] =	ssyncadd.s32 $0xFFFFF9C0  }
0x30: {  	_ =	swait.ge [sflag:s23], $0x640  }
0x31: {  	[sflag:s23] =	ssyncset.done $0x0  }
0x32: {  	[sflag:s23] =	ssyncadd.s32 $0xFFFFF9C0  }
0x33: {  	_ =	swait.ge [sflag:s23], $0x640  }
0x34: {  	p0 =	seq.s32 s31, $0x0;
	[sflag:s23] =	ssyncset.done $0x0  }
0x35: {  	s0 =	simm.s32 @!p0 $0x3;
	[sflag:s23] =	ssyncadd.s32 $0xFFFFF9C0  }
0x36: {  	s1 =	simm.s32 $0x0;
	_ =	swait.ge @!p0 [sflag:s0], $0x1300  }
0x37: {  	v2 =	vmov s1;
	[sflag:s0] =	ssyncset.done @!p0 $0x0  }
0x38: {  	v2 =	vand.u32 $0xFE, v2;
	[sflag:s0] =	ssyncadd.s32 @!p0 $0xFFFFED00;
	s0 =	simm.s32 $0x5460  }
0x39: {  	v4 =	vadd.s32 v0, v2;
	v3 =	vld [tilespmem:s0+$0xFFFFFFA0]  }
0x3a: {  	v2 =	vadd.s32 v1, v2;
	v5 =	vld [tilespmem:s0+$0xFFFFFFB0];
	_ =	sdelay $0x2  }
0x3b: {  	s17 =	simm.s32 $0x1  }
0x3c: {  	[tilespmem:v4+s24+$0x0] =	vst.idx.msk $0xffff, v3;
	v3 =	vmov s17  }
0x3d: {  	[tilespmem:v2+s24+$0x0] =	vst.idx.msk $0xffff, v5;
	v2 =	vand.u32 $0xFF, v3  }
0x3e: {  	v3 =	vld [tilespmem:s0+$0xFFFFFFC0];
	v4 =	vadd.s32 v0, v2  }
0x3f: {  	v5 =	vld [tilespmem:s0+$0xFFFFFFD0];
	v2 =	vadd.s32 v1, v2;
	_ =	sdelay $0x2  }
0x40: {  	s14 =	simm.s32 $0x2  }
0x41: {  	[tilespmem:v4+s24+$0x0] =	vst.idx.msk $0xffff, v3;
	v3 =	vmov s14  }
0x42: {  	[tilespmem:v2+s24+$0x0] =	vst.idx.msk $0xffff, v5;
	v2 =	vand.u32 $0x1FE, v3  }
0x43: {  	v3 =	vld [tilespmem:s0+$0xFFFFFFE0];
	v4 =	vadd.s32 v0, v2  }
0x44: {  	v5 =	vld [tilespmem:s0+$0xFFFFFFF0];
	v2 =	vadd.s32 v1, v2;
	_ =	sdelay $0x2  }
0x45: {  	s15 =	simm.s32 $0x3  }
0x46: {  	[tilespmem:v4+s24+$0x0] =	vst.idx.msk $0xffff, v3;
	v3 =	vmov s15  }
0x47: {  	[tilespmem:v2+s24+$0x0] =	vst.idx.msk $0xffff, v5;
	v2 =	vand.u32 $0x1FF, v3  }
0x48: {  	v3 =	vld [tilespmem:s0+$0x0];
	v4 =	vadd.s32 v0, v2  }
0x49: {  	v5 =	vld [tilespmem:s0+$0x10];
	v2 =	vadd.s32 v1, v2;
	_ =	sdelay $0x2  }
0x4a: {  	s16 =	simm.s32 $0x4  }
0x4b: {  	[tilespmem:v4+s24+$0x0] =	vst.idx.msk $0xffff, v3;
	v3 =	vmov s16  }
0x4c: {  	[tilespmem:v2+s24+$0x0] =	vst.idx.msk $0xffff, v5;
	v2 =	vand.u32 $0x1FE, v3  }
0x4d: {  	v3 =	vld [tilespmem:s0+$0x20];
	v4 =	vadd.s32 v0, v2  }
0x4e: {  	v5 =	vld [tilespmem:s0+$0x30];
	v2 =	vadd.s32 v1, v2;
	_ =	sdelay $0x2  }
0x4f: {  	s17 =	simm.s32 $0x5  }
0x50: {  	[tilespmem:v4+s24+$0x0] =	vst.idx.msk $0xffff, v3;
	v3 =	vmov s17  }
0x51: {  	[tilespmem:v2+s24+$0x0] =	vst.idx.msk $0xffff, v5;
	v3 =	vand.u32 $0x1FF, v3  }
0x52: {  	v5 =	vld [tilespmem:s0+$0x40];
	v6 =	vadd.s32 v0, v3;
	_ =	sdelay $0x1  }
0x53: {  	v2 =	vld [tilespmem:s0+$0x50];
	v3 =	vadd.s32 v1, v3;
	_ =	sdelay $0x1  }
0x54: {  	s16 =	simm.s32 $0x6  }
0x55: {  	s1 =	sshll.u32 s31, $0x1;
	s14 =	simm.s32 $0xB;
	s15 =	simm.s32 $0x11;
	v4 =	vmov s16;
	[tilespmem:v6+s24+$0x0] =	vst.idx.msk $0xffff, v5  }
.LBB2_3:
0x56: {  	p1 =	sne.s32 s15, $0x95  }
0x57: {  	v4 =	vand.u32 $0xFE, v4;
	[tilespmem:v3+s24+$0x0] =	vst.idx.msk $0xffff, v2;
	s0 =	sadd.s32 $0xC0, s0;
	s16 =	smov.u32 s15;
	s15 =	sadd.s32 $0x6, s15  }
0x58: {  	v2 =	vld [tilespmem:s0+$0xFFFFFFA0];
	v3 =	vadd.s32 v0, v4  }
0x59: {  	v4 =	vadd.s32 v1, v4;
	v5 =	vld [tilespmem:s0+$0xFFFFFFB0];
	_ =	sdelay $0x2  }
0x5a: {  	s17 =	sadd.s32 $0xFFFFFFFC, s14  }
0x5b: {  	[tilespmem:v3+s24+$0x0] =	vst.idx.msk $0xffff, v2;
	v2 =	vmov s17  }
0x5c: {  	[tilespmem:v4+s24+$0x0] =	vst.idx.msk $0xffff, v5;
	v2 =	vand.u32 $0xFF, v2  }
0x5d: {  	v3 =	vld [tilespmem:s0+$0xFFFFFFC0];
	v4 =	vadd.s32 v0, v2  }
0x5e: {  	v2 =	vadd.s32 v1, v2;
	v5 =	vld [tilespmem:s0+$0xFFFFFFD0];
	_ =	sdelay $0x2  }
0x5f: {  	s17 =	sadd.s32 $0xFFFFFFFD, s14  }
0x60: {  	[tilespmem:v4+s24+$0x0] =	vst.idx.msk $0xffff, v3;
	v3 =	vmov s17  }
0x61: {  	[tilespmem:v2+s24+$0x0] =	vst.idx.msk $0xffff, v5;
	v2 =	vand.u32 $0x1FE, v3  }
0x62: {  	v3 =	vld [tilespmem:s0+$0xFFFFFFE0];
	v4 =	vadd.s32 v0, v2  }
0x63: {  	v2 =	vadd.s32 v1, v2;
	v5 =	vld [tilespmem:s0+$0xFFFFFFF0];
	_ =	sdelay $0x2  }
0x64: {  	s17 =	sadd.s32 $0xFFFFFFFE, s14  }
0x65: {  	[tilespmem:v4+s24+$0x0] =	vst.idx.msk $0xffff, v3;
	v3 =	vmov s17  }
0x66: {  	[tilespmem:v2+s24+$0x0] =	vst.idx.msk $0xffff, v5;
	v2 =	vand.u32 $0x1FF, v3  }
0x67: {  	v3 =	vld [tilespmem:s0+$0x0];
	v4 =	vadd.s32 v0, v2  }
0x68: {  	v2 =	vadd.s32 v1, v2;
	v5 =	vld [tilespmem:s0+$0x10];
	_ =	sdelay $0x2  }
0x69: {  	s17 =	sadd.s32 $0xFFFFFFFF, s14  }
0x6a: {  	[tilespmem:v4+s24+$0x0] =	vst.idx.msk $0xffff, v3;
	v3 =	vmov s17  }
0x6b: {  	[tilespmem:v2+s24+$0x0] =	vst.idx.msk $0xffff, v5;
	v2 =	vand.u32 $0x1FE, v3  }
0x6c: {  	v3 =	vld [tilespmem:s0+$0x20];
	v4 =	vadd.s32 v0, v2  }
0x6d: {  	v2 =	vadd.s32 v1, v2;
	v5 =	vld [tilespmem:s0+$0x30];
	_ =	sdelay $0x3  }
0x6e: {  	[tilespmem:v4+s24+$0x0] =	vst.idx.msk $0xffff, v3;
	v3 =	vmov s14;
	s14 =	smov.u32 s16  }
0x6f: {  	[tilespmem:v2+s24+$0x0] =	vst.idx.msk $0xffff, v5;
	v3 =	vand.u32 $0x1FF, v3  }
0x70: {  	v5 =	vld [tilespmem:s0+$0x40];
	v6 =	vadd.s32 v0, v3  }
.Ltmp2:
0x71: {  	v3 =	vadd.s32 v1, v3;
	v2 =	vld [tilespmem:s0+$0x50];
	(pc) =	sbr.rel @p1 .LBB2_3-.Ltmp2, $3  }
0x72: {  	_ =	sdelay $0x1  }
0x73: {  	s16 =	sadd.s32 $0xFFFFFFFB, s14  }
0x74: {  	v4 =	vmov s16;
	[tilespmem:v6+s24+$0x0] =	vst.idx.msk $0xffff, v5  }
0x75: {  	_ =	sdelay $0x3  }
0x76: {  	v4 =	vand.u32 $0xFE, v4;
	[tilespmem:v3+s24+$0x0] =	vst.idx.msk $0xffff, v2;
	s0 =	sadd.s32 $0xC0, s0  }
0x77: {  	v2 =	vld [tilespmem:s0+$0xFFFFFFA0];
	v3 =	vadd.s32 v0, v4  }
0x78: {  	v5 =	vld [tilespmem:s0+$0xFFFFFFB0];
	v4 =	vadd.s32 v1, v4;
	_ =	sdelay $0x2  }
0x79: {  	s15 =	sadd.s32 $0xFFFFFFFC, s14  }
0x7a: {  	[tilespmem:v3+s24+$0x0] =	vst.idx.msk $0xffff, v2;
	v2 =	vmov s15  }
0x7b: {  	[tilespmem:v4+s24+$0x0] =	vst.idx.msk $0xffff, v5;
	v2 =	vand.u32 $0xFF, v2  }
0x7c: {  	v3 =	vld [tilespmem:s0+$0xFFFFFFC0];
	v4 =	vadd.s32 v0, v2  }
0x7d: {  	v5 =	vld [tilespmem:s0+$0xFFFFFFD0];
	v2 =	vadd.s32 v1, v2;
	_ =	sdelay $0x2  }
0x7e: {  	s17 =	sadd.s32 $0xFFFFFFFD, s14  }
0x7f: {  	[tilespmem:v4+s24+$0x0] =	vst.idx.msk $0xffff, v3;
	v3 =	vmov s17  }
0x80: {  	[tilespmem:v2+s24+$0x0] =	vst.idx.msk $0xffff, v5;
	v2 =	vand.u32 $0x1FE, v3  }
0x81: {  	v3 =	vld [tilespmem:s0+$0xFFFFFFE0];
	v4 =	vadd.s32 v0, v2  }
0x82: {  	v5 =	vld [tilespmem:s0+$0xFFFFFFF0];
	v2 =	vadd.s32 v1, v2;
	_ =	sdelay $0x2  }
0x83: {  	s16 =	sadd.s32 $0xFFFFFFFE, s14  }
0x84: {  	[tilespmem:v4+s24+$0x0] =	vst.idx.msk $0xffff, v3;
	v3 =	vmov s16  }
0x85: {  	[tilespmem:v2+s24+$0x0] =	vst.idx.msk $0xffff, v5;
	v2 =	vand.u32 $0x1FF, v3  }
0x86: {  	v3 =	vld [tilespmem:s0+$0x0];
	v4 =	vadd.s32 v0, v2  }
0x87: {  	v5 =	vld [tilespmem:s0+$0x10];
	v2 =	vadd.s32 v1, v2;
	_ =	sdelay $0x2  }
0x88: {  	s17 =	sadd.s32 $0xFFFFFFFF, s14  }
0x89: {  	[tilespmem:v4+s24+$0x0] =	vst.idx.msk $0xffff, v3;
	v3 =	vmov s17  }
0x8a: {  	[tilespmem:v2+s24+$0x0] =	vst.idx.msk $0xffff, v5;
	v2 =	vand.u32 $0x1FE, v3  }
0x8b: {  	v3 =	vld [tilespmem:s0+$0x20];
	v4 =	vadd.s32 v0, v2  }
0x8c: {  	v5 =	vld [tilespmem:s0+$0x30];
	v2 =	vadd.s32 v1, v2;
	_ =	sdelay $0x3  }
0x8d: {  	[tilespmem:v4+s24+$0x0] =	vst.idx.msk $0xffff, v3;
	v3 =	vmov s14  }
0x8e: {  	[tilespmem:v2+s24+$0x0] =	vst.idx.msk $0xffff, v5;
	v2 =	vand.u32 $0x1FF, v3  }
0x8f: {  	v3 =	vld [tilespmem:s0+$0x40];
	v4 =	vadd.s32 v0, v2  }
0x90: {  	v5 =	vld [tilespmem:s0+$0x50];
	v2 =	vadd.s32 v1, v2;
	_ =	sdelay $0x1  }
0x91: {  	s16 =	sadd.s32 s2, s1  }
0x92: {  	s0 =	smul.u32 $0x260, s16  }
0x93: {  	p1 =	seq.s32 s31, $0x3F;
	[tilespmem:v4+s24+$0x0] =	vst.idx.msk $0xffff, v3  }
0x94: {  	s14 =	smul.u32 @!p1 $0x70, s31;
	s0 =	sadd.s32 s5, s0;
	[tilespmem:v2+s24+$0x0] =	vst.idx.msk $0xffff, v5  }
0x95: {  	[hbm4b:s0+s3] =	stream.linear.scatter [tilespmem:s24], [sflag:$0x3], $0x1300, $0x38;
	[tilespmem:$0x9F80] =	vst v63  }
0x96: {  	s15 =	simm.s32 @!p1 $0x32;
	s16 =	simm.s32 @!p1 $0x5400;
	s0 =	sadd.s32 @!p1 $0x70, s14  }
0x97: {  	[tilespmem:s16], [sflag:$0x1] =	stream.indirect.gather @!p1 [hbm4b:s4+s15], $0x20, s0, s15, $0xb8;
	[tilespmem:$0x9F80] =	vst v63  }
0x98: {  	s0 =	sadd.s32 @!p1 $0x1C70, s14;
	s16 =	simm.s32 @!p1 $0x5A40  }
0x99: {  	[tilespmem:s16], [sflag:$0x1] =	stream.indirect.gather @!p1 [hbm4b:s4+s15], $0x20, s0, s15, $0xb8;
	[tilespmem:$0x9F80] =	vst v63  }
0x9a: {  	s0 =	sadd.s32 @!p1 $0x3870, s14;
	s14 =	simm.s32 @!p1 $0x6080  }
0x9b: {  	[tilespmem:s14], [sflag:$0x1] =	stream.indirect.gather @!p1 [hbm4b:s4+s15], $0x20, s0, s15, $0xb8;
	[tilespmem:$0x9F80] =	vst v63  }
0x9c: {  	_ =	swait.ge [sflag:s25], $0x640  }
0x9d: {  	[sflag:s25] =	ssyncset.done $0x0  }
0x9e: {  	[sflag:s25] =	ssyncadd.s32 $0xFFFFF9C0  }
0x9f: {  	_ =	swait.ge [sflag:s25], $0x640  }
0xa0: {  	[sflag:s25] =	ssyncset.done $0x0  }
0xa1: {  	[sflag:s25] =	ssyncadd.s32 $0xFFFFF9C0  }
0xa2: {  	_ =	swait.ge [sflag:s25], $0x640  }
0xa3: {  	[sflag:s25] =	ssyncset.done $0x0  }
0xa4: {  	s0 =	simm.s32 @!p0 $0x4;
	[sflag:s25] =	ssyncadd.s32 $0xFFFFF9C0  }
0xa5: {  	s17 =	simm.s32 $0x0;
	_ =	swait.ge @!p0 [sflag:s0], $0x1300  }
0xa6: {  	v2 =	vmov s17;
	[sflag:s0] =	ssyncset.done @!p0 $0x0  }
0xa7: {  	v2 =	vand.u32 $0xFE, v2;
	[sflag:s0] =	ssyncadd.s32 @!p0 $0xFFFFED00;
	s0 =	simm.s32 $0x6720  }
0xa8: {  	v4 =	vadd.s32 v0, v2;
	v3 =	vld [tilespmem:s0+$0xFFFFFFA0]  }
0xa9: {  	v2 =	vadd.s32 v1, v2;
	v5 =	vld [tilespmem:s0+$0xFFFFFFB0];
	_ =	sdelay $0x2  }
0xaa: {  	s15 =	simm.s32 $0x1  }
0xab: {  	[tilespmem:v4+s26+$0x0] =	vst.idx.msk $0xffff, v3;
	v3 =	vmov s15  }
0xac: {  	[tilespmem:v2+s26+$0x0] =	vst.idx.msk $0xffff, v5;
	v2 =	vand.u32 $0xFF, v3  }
0xad: {  	v3 =	vld [tilespmem:s0+$0xFFFFFFC0];
	v4 =	vadd.s32 v0, v2  }
0xae: {  	v5 =	vld [tilespmem:s0+$0xFFFFFFD0];
	v2 =	vadd.s32 v1, v2;
	_ =	sdelay $0x2  }
0xaf: {  	s16 =	simm.s32 $0x2  }
0xb0: {  	[tilespmem:v4+s26+$0x0] =	vst.idx.msk $0xffff, v3;
	v3 =	vmov s16  }
0xb1: {  	[tilespmem:v2+s26+$0x0] =	vst.idx.msk $0xffff, v5;
	v2 =	vand.u32 $0x1FE, v3  }
0xb2: {  	v3 =	vld [tilespmem:s0+$0xFFFFFFE0];
	v4 =	vadd.s32 v0, v2  }
0xb3: {  	v5 =	vld [tilespmem:s0+$0xFFFFFFF0];
	v2 =	vadd.s32 v1, v2;
	_ =	sdelay $0x2  }
0xb4: {  	s17 =	simm.s32 $0x3  }
0xb5: {  	[tilespmem:v4+s26+$0x0] =	vst.idx.msk $0xffff, v3;
	v3 =	vmov s17  }
0xb6: {  	[tilespmem:v2+s26+$0x0] =	vst.idx.msk $0xffff, v5;
	v2 =	vand.u32 $0x1FF, v3  }
0xb7: {  	v3 =	vld [tilespmem:s0+$0x0];
	v4 =	vadd.s32 v0, v2  }
0xb8: {  	v5 =	vld [tilespmem:s0+$0x10];
	v2 =	vadd.s32 v1, v2;
	_ =	sdelay $0x2  }
0xb9: {  	s15 =	simm.s32 $0x4  }
0xba: {  	[tilespmem:v4+s26+$0x0] =	vst.idx.msk $0xffff, v3;
	v3 =	vmov s15  }
0xbb: {  	[tilespmem:v2+s26+$0x0] =	vst.idx.msk $0xffff, v5;
	v2 =	vand.u32 $0x1FE, v3  }
0xbc: {  	v3 =	vld [tilespmem:s0+$0x20];
	v4 =	vadd.s32 v0, v2  }
0xbd: {  	v5 =	vld [tilespmem:s0+$0x30];
	v2 =	vadd.s32 v1, v2;
	_ =	sdelay $0x2  }
0xbe: {  	s16 =	simm.s32 $0x5  }
0xbf: {  	[tilespmem:v4+s26+$0x0] =	vst.idx.msk $0xffff, v3;
	v3 =	vmov s16  }
0xc0: {  	[tilespmem:v2+s26+$0x0] =	vst.idx.msk $0xffff, v5;
	v3 =	vand.u32 $0x1FF, v3  }
0xc1: {  	v5 =	vld [tilespmem:s0+$0x40];
	v6 =	vadd.s32 v0, v3;
	_ =	sdelay $0x1  }
0xc2: {  	v2 =	vld [tilespmem:s0+$0x50];
	v3 =	vadd.s32 v1, v3;
	_ =	sdelay $0x1  }
0xc3: {  	s17 =	simm.s32 $0x6  }
0xc4: {  	s1 =	sor.u32 $0x1, s1;
	s14 =	simm.s32 $0xB;
	s15 =	simm.s32 $0x11;
	v4 =	vmov s17;
	[tilespmem:v6+s26+$0x0] =	vst.idx.msk $0xffff, v5  }
.LBB2_5:
0xc5: {  	p0 =	sne.s32 s15, $0x95  }
0xc6: {  	v4 =	vand.u32 $0xFE, v4;
	[tilespmem:v3+s26+$0x0] =	vst.idx.msk $0xffff, v2;
	s0 =	sadd.s32 $0xC0, s0;
	s16 =	smov.u32 s15;
	s15 =	sadd.s32 $0x6, s15  }
0xc7: {  	v2 =	vld [tilespmem:s0+$0xFFFFFFA0];
	v3 =	vadd.s32 v0, v4  }
0xc8: {  	v4 =	vadd.s32 v1, v4;
	v5 =	vld [tilespmem:s0+$0xFFFFFFB0];
	_ =	sdelay $0x2  }
0xc9: {  	s17 =	sadd.s32 $0xFFFFFFFC, s14  }
0xca: {  	[tilespmem:v3+s26+$0x0] =	vst.idx.msk $0xffff, v2;
	v2 =	vmov s17  }
0xcb: {  	[tilespmem:v4+s26+$0x0] =	vst.idx.msk $0xffff, v5;
	v2 =	vand.u32 $0xFF, v2  }
0xcc: {  	v3 =	vld [tilespmem:s0+$0xFFFFFFC0];
	v4 =	vadd.s32 v0, v2  }
0xcd: {  	v2 =	vadd.s32 v1, v2;
	v5 =	vld [tilespmem:s0+$0xFFFFFFD0];
	_ =	sdelay $0x2  }
0xce: {  	s17 =	sadd.s32 $0xFFFFFFFD, s14  }
0xcf: {  	[tilespmem:v4+s26+$0x0] =	vst.idx.msk $0xffff, v3;
	v3 =	vmov s17  }
0xd0: {  	[tilespmem:v2+s26+$0x0] =	vst.idx.msk $0xffff, v5;
	v2 =	vand.u32 $0x1FE, v3  }
0xd1: {  	v3 =	vld [tilespmem:s0+$0xFFFFFFE0];
	v4 =	vadd.s32 v0, v2  }
0xd2: {  	v2 =	vadd.s32 v1, v2;
	v5 =	vld [tilespmem:s0+$0xFFFFFFF0];
	_ =	sdelay $0x2  }
0xd3: {  	s17 =	sadd.s32 $0xFFFFFFFE, s14  }
0xd4: {  	[tilespmem:v4+s26+$0x0] =	vst.idx.msk $0xffff, v3;
	v3 =	vmov s17  }
0xd5: {  	[tilespmem:v2+s26+$0x0] =	vst.idx.msk $0xffff, v5;
	v2 =	vand.u32 $0x1FF, v3  }
0xd6: {  	v3 =	vld [tilespmem:s0+$0x0];
	v4 =	vadd.s32 v0, v2  }
0xd7: {  	v2 =	vadd.s32 v1, v2;
	v5 =	vld [tilespmem:s0+$0x10];
	_ =	sdelay $0x2  }
0xd8: {  	s17 =	sadd.s32 $0xFFFFFFFF, s14  }
0xd9: {  	[tilespmem:v4+s26+$0x0] =	vst.idx.msk $0xffff, v3;
	v3 =	vmov s17  }
0xda: {  	[tilespmem:v2+s26+$0x0] =	vst.idx.msk $0xffff, v5;
	v2 =	vand.u32 $0x1FE, v3  }
0xdb: {  	v3 =	vld [tilespmem:s0+$0x20];
	v4 =	vadd.s32 v0, v2  }
0xdc: {  	v2 =	vadd.s32 v1, v2;
	v5 =	vld [tilespmem:s0+$0x30];
	_ =	sdelay $0x3  }
0xdd: {  	[tilespmem:v4+s26+$0x0] =	vst.idx.msk $0xffff, v3;
	v3 =	vmov s14;
	s14 =	smov.u32 s16  }
0xde: {  	[tilespmem:v2+s26+$0x0] =	vst.idx.msk $0xffff, v5;
	v3 =	vand.u32 $0x1FF, v3  }
0xdf: {  	v5 =	vld [tilespmem:s0+$0x40];
	v6 =	vadd.s32 v0, v3  }
.Ltmp3:
0xe0: {  	v3 =	vadd.s32 v1, v3;
	v2 =	vld [tilespmem:s0+$0x50];
	(pc) =	sbr.rel @p0 .LBB2_5-.Ltmp3, $3  }
0xe1: {  	_ =	sdelay $0x1  }
0xe2: {  	s16 =	sadd.s32 $0xFFFFFFFB, s14  }
0xe3: {  	v4 =	vmov s16;
	[tilespmem:v6+s26+$0x0] =	vst.idx.msk $0xffff, v5  }
0xe4: {  	_ =	sdelay $0x3  }
0xe5: {  	v4 =	vand.u32 $0xFE, v4;
	[tilespmem:v3+s26+$0x0] =	vst.idx.msk $0xffff, v2;
	s0 =	sadd.s32 $0xC0, s0  }
0xe6: {  	v2 =	vld [tilespmem:s0+$0xFFFFFFA0];
	v3 =	vadd.s32 v0, v4  }
0xe7: {  	v5 =	vld [tilespmem:s0+$0xFFFFFFB0];
	v4 =	vadd.s32 v1, v4;
	_ =	sdelay $0x2  }
0xe8: {  	s15 =	sadd.s32 $0xFFFFFFFC, s14  }
0xe9: {  	[tilespmem:v3+s26+$0x0] =	vst.idx.msk $0xffff, v2;
	v2 =	vmov s15  }
0xea: {  	[tilespmem:v4+s26+$0x0] =	vst.idx.msk $0xffff, v5;
	v2 =	vand.u32 $0xFF, v2  }
0xeb: {  	v3 =	vld [tilespmem:s0+$0xFFFFFFC0];
	v59 =	vadd.s32 v0, v2  }
0xec: {  	v5 =	vld [tilespmem:s0+$0xFFFFFFD0];
	v2 =	vadd.s32 v1, v2;
	_ =	sdelay $0x2  }
0xed: {  	s16 =	sadd.s32 $0xFFFFFFFD, s14  }
0xee: {  	[tilespmem:v59+s26+$0x0] =	vst.idx.msk $0xffff, v3;
	v3 =	vmov s16  }
0xef: {  	[tilespmem:v2+s26+$0x0] =	vst.idx.msk $0xffff, v5;
	v2 =	vand.u32 $0x1FE, v3  }
0xf0: {  	v3 =	vld [tilespmem:s0+$0xFFFFFFE0];
	v60 =	vadd.s32 v0, v2  }
0xf1: {  	v5 =	vld [tilespmem:s0+$0xFFFFFFF0];
	v2 =	vadd.s32 v1, v2;
	_ =	sdelay $0x2  }
0xf2: {  	s17 =	sadd.s32 $0xFFFFFFFE, s14  }
0xf3: {  	[tilespmem:v60+s26+$0x0] =	vst.idx.msk $0xffff, v3;
	v3 =	vmov s17  }
0xf4: {  	[tilespmem:v2+s26+$0x0] =	vst.idx.msk $0xffff, v5;
	v2 =	vand.u32 $0x1FF, v3  }
0xf5: {  	v3 =	vld [tilespmem:s0+$0x0];
	v61 =	vadd.s32 v0, v2  }
0xf6: {  	v5 =	vld [tilespmem:s0+$0x10];
	v2 =	vadd.s32 v1, v2;
	_ =	sdelay $0x2  }
0xf7: {  	s16 =	sadd.s32 $0xFFFFFFFF, s14  }
0xf8: {  	[tilespmem:v61+s26+$0x0] =	vst.idx.msk $0xffff, v3;
	v3 =	vmov s16  }
0xf9: {  	[tilespmem:v2+s26+$0x0] =	vst.idx.msk $0xffff, v5;
	v2 =	vand.u32 $0x1FE, v3  }
0xfa: {  	v3 =	vld [tilespmem:s0+$0x20];
	v62 =	vadd.s32 v0, v2  }
0xfb: {  	v5 =	vld [tilespmem:s0+$0x30];
	v2 =	vadd.s32 v1, v2;
	_ =	sdelay $0x3  }
0xfc: {  	[tilespmem:v62+s26+$0x0] =	vst.idx.msk $0xffff, v3;
	v3 =	vmov s14  }
0xfd: {  	[tilespmem:v2+s26+$0x0] =	vst.idx.msk $0xffff, v5;
	v2 =	vand.u32 $0x1FF, v3  }
0xfe: {  	v3 =	vld [tilespmem:s0+$0x40];
	v63 =	vadd.s32 v0, v2  }
0xff: {  	v5 =	vld [tilespmem:s0+$0x50];
	v2 =	vadd.s32 v1, v2;
	_ =	sdelay $0x1  }
.Ltmp4:
0x100: {  	s17 =	sadd.s32 s2, s1;
	(pc) =	sbr.rel @p1 .LBB2_8-.Ltmp4, $4  }
0x101: {  	s0 =	smul.u32 $0x260, s17  }
0x102: {  	[tilespmem:v63+s26+$0x0] =	vst.idx.msk $0xffff, v3  }
0x103: {  	s0 =	sadd.s32 s5, s0;
	[tilespmem:v2+s26+$0x0] =	vst.idx.msk $0xffff, v5  }
0x104: {  	[hbm4b:s0+s3] =	stream.linear.scatter [tilespmem:s26], [sflag:$0x4], $0x1300, $0x38;
	[tilespmem:$0x9F80] =	vst v63  }
0x105: {  	s0 =	smul.u32 $0x70, s31;
	_ =	sdelay $0x1  }
0x106: {  	s1 =	sadd.s32 $0xA8, s0  }
0x107: {  	[tilespmem:s18], [sflag:$0x2] =	stream.indirect.gather [hbm4b:s4+s13], $0x20, s1, s13, $0xb8;
	[tilespmem:$0x9F80] =	vst v63  }
.Ltmp5:
0x108: {  	_ = 	snop;
	(pc) =	sbr.rel .LBB2_2-.Ltmp5, $4  }
0x109: {  	s17 =	sadd.s32 $0x1CA8, s0  }
0x10a: {  	[tilespmem:s20], [sflag:$0x2] =	stream.indirect.gather [hbm4b:s4+s13], $0x20, s17, s13, $0xb8;
	[tilespmem:$0x9F80] =	vst v63  }
0x10b: {  	s31 =	sadd.s32 $0x1, s31;
	s0 =	sadd.s32 $0x38A8, s0  }
0x10c: {  	[tilespmem:s22], [sflag:$0x2] =	stream.indirect.gather [hbm4b:s4+s13], $0x20, s0, s13, $0xb8;
	[tilespmem:$0x9F80] =	vst v63  }
.LBB2_9:
0x10d: {  	_ =	sfence.sel $0x180000  }
0x10e: {  	[bflag:$0x0] =	sbarrier.arrive $0xFFFF  }
0x10f: {  	_ =	strace $0x90000047  }
0x110: {  	s0 =	stileid.u32;
	[bflag:$0x2] =	sbarrier.arrive $0xFFFF  }
0x111: {  	p0 =	sne.s32 s0, $0x0;
	s0 =	rddreg [dreg:$0x2]  }
0x112: {  	s0 =	sadd.s32 @!p0 $0x100000, s0  }
0x113: {  	[sflag:s0] =	ssyncadd.tile.s32 @!p0 $0x1;
	_ =	shalt  }
.Lfunc_end2:
_tile_overlayer_lowered:
.L_overlay_start_2:
0x114: {  	(tag) =	ssettag $0x2  }
0x115: {  	s0 =	rddreg [dreg:$0x0];
	s2 =	stileid.u32  }
0x116: {  	s1 =	rddreg [dreg:$0x1];
	p0 =	sne.s32 s2, $0x0  }
0x117: {  	s3 =	rddreg [dreg:$0x2];
	[bflag:$0x3] =	sbarrier.arrive $0xFFFF;
	s2 =	simm.s32 @!p0 $0x1C05  }
0x118: {  	[timem:s3], [sflag:s2] =	dma.local @!p0 [hbm:s0], s1  }
0x119: {  	s0 =	simm.s32 @!p0 $0x5  }
0x11a: {  	_ =	swait.ge @!p0 [sflag:s0], s1  }
0x11b: {  	s1 =	ssub.s32 @!p0 $0x0, s1;
	[sflag:s0] =	ssyncset.done @!p0 $0x0  }
0x11c: {  	[sflag:s0] =	ssyncadd.s32 @!p0 s1  }
0x11d: {  	[bflag:$0x3] =	sbarrier.arrive $0xFFFF  }
0x11e: {  	_ =	shalt  }

// kernel: sparse-core-data-format-call.cloned.1.call-start
scs
called_computation_lowered:
.L_overlay_start_0:
0x0: {  	s2 =	sld [smem:$0x3FD9]  }
0x1: {  	s3 =	sld [smem:$0x3FFE];
	_ =	sdelay $0x1  }
0x2: {  	s1 =	srdreg.scid  }
0x3: {  	s0 =	sand.u32 $0x1, s1  }
0x4: {  	s18 =	sshll.u32 s0, $0xA;
	s2 =	sadd.s32 s3, s2  }
0x5: {  	s2 =	sadd.s32 s2, s18  }
0x6: {  	[smem:$0x3FC4] =	sst s2  }
0x7: {  	_ = 	snop  }
0x8: {  	s2 =	sld [smem:$0x3FD0];
	(tm) =	ssettm $0x1  }
0x9: {  	s19 =	sld [smem:$0x3FFB];
	_ =	sdelay $0x3  }
0xa: {  	_ =	strace s19  }
0xb: {  	s3 =	sld [smem:$0x3FFC];
	_ =	sdelay $0x3  }
0xc: {  	_ =	strace s3  }
0xd: {  	s3 =	sld [smem:$0x3FFD];
	_ =	sdelay $0x3  }
0xe: {  	_ =	strace s3  }
0xf: {  	_ =	strace $0x8FFFFFFF  }
0x10: {  	s20 =	sld [smem:$0x3FDB];
	_ =	sdelay $0x1  }
0x11: {  	s4 =	simm.s32 $_scs_section_size  }
0x12: {  	s5 =	simm.s32 $_size__tile_overlayer_lowered;
	s6 =	simm.s32 $_tile_overlayer_lowered  }
0x13: {  	s23 =	simm.s32 $0x1BFF;
	s22 =	sshll.u32 s6, $0x1;
	s3 =	sadd.s32 s4, s20  }
0x14: {  	s7 =	simm.s32 $0x0;
	s21 =	sshll.u32 s5, $0x1;
	s5 =	sadd.s32 s22, s3  }
0x15: {  	[timem:s7], [sflag:s23] =	dma.local [hbm:s5], s21  }
0x16: {  	_ =	swait.ge [sflag:s23], s21  }
0x17: {  	s4 =	ssub.s32 $0x0, s21;
	[sflag:s23] =	ssyncset.done $0x0  }
0x18: {  	[sflag:s23] =	ssyncadd.s32 s4;
	_ =	sdelay $0x1  }
0x19: {  	s24 =	simm.s32 $0x1B8B  }
0x1a: {  	_ =	swait.ge [sflag:s24], $0x1  }
0x1b: {  	[sflag:s24] =	ssyncset.done $0x0  }
0x1c: {  	s26 =	simm.s32 $0x1B8E;
	s25 =	sld [smem:$0x3FFE];
	[sflag:s24] =	ssyncadd.s32 $0xFFFFFFFF  }
0x1d: {  	s27 =	simm.s32 $execute0_lowered;
	[smem:$0x3FD2] =	sst s26  }
0x1e: {  	s5 =	sshll.u32 s27, $0x1;
	_ =	strace $0x80000049;
	[dreg:$0x1] =	wrdreg $0xFFFFFFFF  }
0x1f: {  	s28 =	simm.s32 $_size_execute0_lowered;
	s3 =	sadd.s32 s3, s5;
	[dreg:$0x0] =	wrdreg $0x0  }
0x20: {  	s5 =	sshll.u32 s28, $0x1;
	[dreg:$0x2] =	wrdreg s3  }
0x21: {  	[dreg:$0x3] =	wrdreg s5  }
0x22: {  	[dreg:$0x4] =	wrdreg $0xC0  }
0x23: {  	_ =	task [dreg:s7], $0x5FFFF  }
0x24: {  	[dreg:$0x1] =	wrdreg $0xFFFFFFFF  }
0x25: {  	[dreg:$0x0] =	wrdreg $0x60  }
0x26: {  	[dreg:$0x2] =	wrdreg s25  }
0x27: {  	[dreg:$0x3] =	wrdreg s2  }
0x28: {  	[dreg:$0x4] =	wrdreg $0x9  }
0x29: {  	_ =	task.clear_ibuf [dreg:s7], $0x5FFFF;
	_ =	strace $0x90000049  }
0x2a: {  	s29 =	simm.s32 $0x9;
	_ =	strace $0x8000004B  }
0x2b: {  	_ =	swait.ge [sflag:s29], $0x1  }
0x2c: {  	[sflag:s29] =	ssyncadd.s32 $0xFFFFFFFF  }
0x2d: {  	_ =	strace $0x9000004B  }
0x2e: {  	_ =	sfence  }
0x2f: {  	s30 =	sld [smem:$0x0];
	_ =	sdelay $0x2  }
0x30: {  	s31 =	sshll.u32 s1, $0xD;
	s1 =	sshrl.u32 s1, $0x2  }
0x31: {  	s3 =	sand.u32 $0x4000, s31;
	s1 =	sadd.s32 s1, s30  }
0x32: {  	s0 =	sor.u32 s3, s0;
	s1 =	sshll.u32 s1, $0x11  }
0x33: {  	s0 =	sor.u32 s1, s0  }
0x34: {  	s0 =	sadd.s32 $0x8F2B, s0  }
0x35: {  	[sflag:s0] =	ssyncadd.remote.s32 $0x1  }
0x36: {  	_ =	sfence.sel $0xFFFF  }
0x37: {  	[dreg:$0x0] =	wrdreg $0xFFFFFFFF;
	(pc) =	sbr.abs _section_cstart, $3  }
0x38: {  	[dreg:$0x1] =	wrdreg $0xFFFFFFFF  }
0x39: {  	_ =	task.clear_ibuf [dreg:s7], $0x2FFFF;
	_ =	strace $0x9FFFFFFF  }
0x3a: {  	(tm) =	ssettm $0x7FFFFFFF  }
0x3b: {  	_ =	shalt  }
tec
execute0_lowered:
.L_overlay_start_1:
0x0: {  	(tag) =	ssettag $0x1  }
0x1: {  	s5 =	rddreg [dreg:$0x0]  }
0x2: {  	s0 =	srdreg.scid;
	s3 =	rddreg [dreg:$0x1];
	s7 =	simm.s32 $0x1  }
0x3: {  	s8 =	simm.s32 $0x2;
	s18 =	simm.s32 $0x0;
	s1 =	sshll.u32 s0, $0x4  }
0x4: {  	s17 =	simm.s32 $0x0;
	s0 =	stileid.u32;
	s1 =	sand.u32 $0x10, s1  }
0x5: {  	s16 =	simm.s32 $0x0;
	s9 =	simm.s32 $0x0;
	s1 =	sor.u32 s0, s1  }
0x6: {  	s10 =	simm.s32 $0x0;
	s11 =	simm.s32 $0x0;
	s2 =	sshll.u32 s1, $0x7  }
0x7: {  	s12 =	simm.s32 $0x0;
	s13 =	simm.s32 $0x0;
	s6 =	ssub.s32 $0x1000, s2  }
0x8: {  	s15 =	simm.s32 $0x0;
	s5 =	sadd.s32 $0x26EE00, s5;
	s4 =	sand.u32 $0xF80, s6  }
.Ltmp0:
0x9: {  	s1 =	rddreg [dreg:$0x2];
	p0 =	sne.s32 s4, $0x0;
	(pc) =	sbr.rel .LBB1_1-.Ltmp0, $4  }
0xa: {  	_ =	strace $0x8000004A;
	s6 =	sshrl.u32 s6, $0xC;
	s7 =	simm.s32 @!p0 $0x0  }
0xb: {  	s14 =	smov.u32 s2;
	s4 =	simm.s32 $0x1;
	s6 =	sadd.s32 s7, s6  }
0xc: {  	[sflag:s4] =	ssyncpa.u1 $0x0;
	p0 =	por $0x0, $0x0;
	s6 =	sshll.u32 s6, $0x6  }
0xd: {  	[sflag:s8] =	ssyncpa.u1 $0x0;
	s8 =	simm.s32 $0x20000;
	s7 =	sor.u32 $0x1, s6  }
.LBB1_4:
0xe: {  	s23 =	sshra.s32 s23, $0x2;
	s24 =	sshll.u32 s11, $0x3  }
0xf: {  	s28 =	sand.u32 $0x78, s11;
	p2 =	sgt.s32 s10, $0x1F;
	s26 =	sshra.s32 s10, $0x1F  }
0x10: {  	p1 =	sgt.s32 s9, $0x16;
	s27 =	sshra.s32 s11, $0x1F;
	s25 =	sand.u32 $0xC00, s24  }
0x11: {  	s22 =	sadd.s32 s23, s22;
	s23 =	sor.u32 s28, s25;
	s25 =	smov.u32 s10  }
0x12: {  	s29 =	sshra.s32 s9, $0x1F;
	s26 =	sand.u32 s26, s10;
	s25 =	simm.s32 @!p2 $0x1F  }
0x13: {  	p2 =	sgt.s32 s11, $0xF80;
	s25 =	ssub.s32 s25, s26;
	s26 =	smov.u32 s11  }
0x14: {  	s27 =	sand.u32 s27, s11;
	s28 =	sadd.s32 $0xFFFFFFE1, s25;
	s26 =	simm.s32 @!p2 $0xF80  }
0x15: {  	v5 =	vld [tilespmem:s20+$0xFFFFFFD0];
	[tilespmem:s21+$0x2040 ss:$0x81] =	vst.msk $0xffff, v4;
	s25 =	ssub.s32 $0x20, s25;
	p2 =	sgt.s32 s28, $0x0;
	s28 =	smov.u32 s9  }
0x16: {  	v58 =	vld [tilespmem:s20+$0xFFFFFFE0];
	[tilespmem:s21+$0x2850 ss:$0x81] =	vst.msk $0xffff, v3;
	s26 =	ssub.s32 s26, s27;
	s27 =	sand.u32 s29, s9;
	s29 =	sshll.u32 s10, $0x7  }
0x17: {  	v59 =	vld [tilespmem:s20+$0xFFFFFFF0];
	[tilespmem:s21+$0x3060 ss:$0x81] =	vst.msk $0xffff, v2;
	s28 =	simm.s32 @!p1 $0x16;
	s25 =	simm.s32 @p2 $0x0;
	s30 =	sadd.s32 $0xFFFFF080, s26  }
0x18: {  	[tilespmem:s21+$0x0 ss:$0x81] =	vst.msk $0xffff, v1;
	v60 =	vld [tilespmem:s20+$0x0];
	s26 =	ssub.s32 $0x1000, s26;
	s27 =	ssub.s32 s28, s27;
	p1 =	sgt.s32 s30, $0x7F  }
0x19: {  	v61 =	vld [tilespmem:s20+$0x10];
	[tilespmem:s22+$0x3870 ss:$0x81] =	vst.msk $0xffff, v0;
	s28 =	sshll.u32 s10, $0xC;
	s30 =	sand.u32 $0x1FC00, s24;
	s31 =	sadd.s32 $0xFFFFFFEA, s27  }
0x1a: {  	v62 =	vld [tilespmem:s20+$0x20];
	[tilespmem:s22+$0x810 ss:$0x81] =	vst.msk $0xffff, v5;
	s26 =	simm.s32 @p1 $0x0;
	s21 =	sand.u32 $0x18000, s28;
	s28 =	sand.u32 $0x7, s11  }
0x1b: {  	v63 =	vld [tilespmem:s20+$0xFFFFFFC0];
	[tilespmem:s22+$0x1020 ss:$0x81] =	vst.msk $0xffff, v58;
	p1 =	sgt.s32 s31, $0x7F;
	s25 =	smul.u32 s26, s25;
	s31 =	sand.u32 $0x380, s29  }
0x1c: {  	[tilespmem:s22+$0x1830 ss:$0x81] =	vst.msk $0xffff, v59;
	s26 =	ssub.s32 $0x96, s27;
	s20 =	sadd.s32 s30, s21;
	s27 =	sshll.u32 s9, $0xE  }
0x1d: {  	[tilespmem:s22+$0x2040 ss:$0x81] =	vst.msk $0xffff, v60;
	s23 =	sor.u32 s31, s23;
	s26 =	simm.s32 @p1 $0x0;
	s20 =	sshrl.u32 s20, $0x3  }
0x1e: {  	[tilespmem:s22+$0x2850 ss:$0x81] =	vst.msk $0xffff, v61;
	s24 =	sadd.s32 s3, s27;
	s26 =	smul.u32 s26, s25;
	s20 =	sand.u32 $0x3E00, s20  }
0x1f: {  	[tilespmem:s22+$0x3060 ss:$0x81] =	vst.msk $0xffff, v62;
	s29 =	sshll.u32 s28, $0x12;
	s21 =	sshrl.u32 s23, $0x3;
	s20 =	sadd.s32 s20, s24  }
0x20: {  	[tilespmem:s22+$0x0 ss:$0x81] =	vst.msk $0xffff, v63;
	s31 =	sor.u32 $0x80, s29;
	s30 =	sand.u32 $0x3FFFFFFF, s26;
	s20 =	sadd.s32 s21, s20  }
0x21: {  	[hbm4b:s20+s31] =	stream.strided.scatter [tilespmem:s19], [sflag:$0x2], s30, s8, s31, $0x20;
	[tilespmem:$0x10100] =	vst v63  }
.LBB1_5:
0x22: {  	p1 =	slt.u32 s15, $0x2  }
0x23: {  	p2 =	sgt.s32 @!p1 s18, $0x16  }
0x24: {  	s19 =	smov.u32 s18;
	s20 =	sshra.s32 @!p1 s18, $0x1F;
	p2 =	por !p2, p1  }
0x25: {  	s18 =	sand.u32 @!p1 s20, s18;
	s19 =	simm.s32 @p2 $0x16  }
0x26: {  	s20 =	sshra.s32 @!p1 s17, $0x1F;
	p2 =	sgt.s32 @!p1 s17, $0x1F;
	s18 =	ssub.s32 @!p1 s19, s18  }
0x27: {  	p2 =	por !p2, p1;
	s19 =	smov.u32 s17;
	s17 =	sand.u32 @!p1 s20, s17  }
0x28: {  	s20 =	sshra.s32 @!p1 s16, $0x1F;
	s19 =	simm.s32 @p2 $0x1F;
	p2 =	sgt.s32 @!p1 s16, $0xF80  }
0x29: {  	s17 =	ssub.s32 @!p1 s19, s17;
	p2 =	por !p2, p1;
	s19 =	smov.u32 s16  }
0x2a: {  	s16 =	sand.u32 @!p1 s20, s16;
	s20 =	sadd.s32 @!p1 $0xFFFFFFE1, s17;
	s19 =	simm.s32 @p2 $0xF80  }
0x2b: {  	p2 =	sgt.s32 @!p1 s20, $0x0;
	s16 =	ssub.s32 @!p1 s19, s16  }
0x2c: {  	s17 =	ssub.s32 @!p1 $0x20, s17;
	p2 =	por !p2, p1;
	s19 =	sadd.s32 @!p1 $0xFFFFF080, s16  }
0x2d: {  	s17 =	simm.s32 @!p2 $0x0;
	p2 =	sgt.s32 @!p1 s19, $0x7F  }
0x2e: {  	s21 =	smov.u32 s14;
	s16 =	ssub.s32 @!p1 $0x1000, s16;
	p2 =	por !p2, p1  }
0x2f: {  	s20 =	sadd.s32 @!p1 $0xFFFFFFEA, s18;
	s19 =	sadd.s32 $0x80, s12;
	s16 =	simm.s32 @!p2 $0x0  }
0x30: {  	p2 =	sgt.s32 s19, $0x95;
	s16 =	smul.u32 @!p1 s16, s17;
	s17 =	simm.s32 $0x1  }
0x31: {  	p0 =	por !p0, !p0;
	p3 =	sgt.s32 @!p1 s20, $0x7F;
	s17 =	simm.s32 @!p2 $0x0  }
0x32: {  	s18 =	ssub.s32 @!p1 $0x96, s18;
	p3 =	por !p3, p1;
	s20 =	sadd.s32 s17, s13  }
0x33: {  	s18 =	simm.s32 @!p3 $0x0;
	s17 =	sadd.s32 $0x1000, s14;
	p3 =	sgt.s32 s20, $0x1F  }
0x34: {  	s22 =	simm.s32 @!p1 $0x2;
	s19 =	simm.s32 @p2 $0x0;
	s21 =	smov.u32 @p3 s17  }
0x35: {  	s16 =	smul.u32 @!p1 s18, s16;
	s18 =	smov.u32 s9;
	p2 =	sgt.s32 s21, $0xFFF  }
0x36: {  	s9 =	smov.u32 s12;
	s21 =	smov.u32 @p2 s2;
	p2 =	sne.s32 s15, s7  }
.Ltmp1:
0x37: {  	s12 =	smov.u32 s19;
	s16 =	sand.u32 @!p1 $0x3FFFFFFF, s16;
	(pc) =	sbr.rel @!p2 .LBB1_6-.Ltmp1, $4  }
0x38: {  	s20 =	simm.s32 @p3 $0x0;
	s17 =	smov.u32 s10;
	s10 =	smov.u32 s13  }
0x39: {  	_ =	swait.ge @!p1 [sflag:s22], s16;
	s23 =	ssub.s32 @!p1 $0x0, s16;
	s16 =	smov.u32 s11  }
0x3a: {  	s11 =	smov.u32 s14;
	s13 =	smov.u32 s20;
	[sflag:s22] =	ssyncset.done @!p1 $0x0  }
0x3b: {  	s15 =	sadd.s32 $0x1, s15;
	[sflag:s22] =	ssyncadd.s32 @!p1 s23;
	s14 =	smov.u32 s21  }
.LBB1_1:
0x3c: {  	p1 =	sge.u32 s15, s6  }
0x3d: {  	s31 =	sadd.s32 $0xFFFFFFFF, s15;
	s19 =	sxor.u32 @!p1 $0xFFFFFFFF, s15  }
0x3e: {  	s20 =	sshll.u32 @!p1 s13, $0x8;
	s21 =	sshll.u32 @!p1 s12, $0x3;
	s22 =	sshll.u32 @!p1 s13, $0x7  }
0x3f: {  	s23 =	sand.u32 @!p1 $0x78, s12;
	s20 =	sand.u32 @!p1 $0x1800, s20;
	s21 =	sand.u32 @!p1 $0x1C00, s21  }
0x40: {  	s19 =	sshll.u32 @!p1 s19, $0xE;
	s20 =	sadd.s32 @!p1 s20, s21;
	s21 =	sand.u32 @!p1 $0x300, s22  }
0x41: {  	s19 =	sand.u32 @!p1 $0x4000, s19;
	s20 =	sor.u32 @!p1 s21, s20;
	s21 =	sand.u32 @!p1 $0x80, s22  }
0x42: {  	s22 =	sshll.u32 @!p1 s14, $0xA;
	s21 =	sor.u32 @!p1 s23, s21;
	s20 =	sshrl.u32 @!p1 s20, $0x3  }
0x43: {  	s22 =	sadd.s32 @!p1 s5, s22;
	s23 =	sand.u32 @!p1 $0x7, s12;
	s21 =	sshrl.u32 @!p1 s21, $0x3  }
0x44: {  	s20 =	sand.u32 @!p1 $0x3E0, s20;
	s21 =	sadd.s32 @!p1 s21, s22;
	s22 =	sshll.u32 @!p1 s23, $0x12  }
0x45: {  	s20 =	sadd.s32 @!p1 s20, s21;
	s21 =	sor.u32 @!p1 $0x80, s22;
	s22 =	simm.s32 @!p1 $0x2000  }
0x46: {  	[tilespmem:s19], [sflag:$0x1] =	stream.strided.gather @!p1 [hbm4b:s20+s21], $0x4000, s22, s21, $0x38;
	[tilespmem:$0x10100] =	vst v63  }
0x47: {  	p1 =	sge.u32 s31, s6  }
.Ltmp2:
0x48: {  	_ = 	snop;
	(pc) =	sbr.rel @p1 .LBB1_5-.Ltmp2, $1  }
0x49: {  	_ =	sdelay $0x3  }
0x4a: {  	s19 =	simm.s32 $0x1  }
0x4b: {  	_ =	swait.ge [sflag:s4], $0x4000;
	s19 =	simm.s32 @!p0 $0x0  }
0x4c: {  	[sflag:s4] =	ssyncset.done $0x0;
	s20 =	sshll.u32 s19, $0xE  }
0x4d: {  	[sflag:s4] =	ssyncadd.s32 $0xFFFFC000;
	s20 =	sor.u32 $0x40, s20  }
0x4e: {  	s19 =	smul.u32 $0x10200, s19;
	v0 =	vld [tilespmem:s20+$0x30]  }
0x4f: {  	v1 =	vld [tilespmem:s20+$0xFFFFFFD0]  }
0x50: {  	s19 =	sshrl.u32 s19, $0x2;
	v5 =	vld [tilespmem:s20+$0xFFFFFFE0]  }
0x51: {  	v6 =	vld [tilespmem:s20+$0xFFFFFFF0];
	s22 =	sor.u32 $0x8000, s19  }
0x52: {  	s31 =	sand.u32 $0x1, s15;
	v4 =	vld [tilespmem:s20+$0x0];
	s21 =	sadd.s32 $0x0, s22  }
0x53: {  	v3 =	vld [tilespmem:s20+$0x10];
	s19 =	smul.u32 $0x10200, s31;
	[tilespmem:s21+$0x3870 ss:$0x81] =	vst.msk $0xffff, v0  }
0x54: {  	v2 =	vld [tilespmem:s20+$0x20];
	[tilespmem:s21+$0x810 ss:$0x81] =	vst.msk $0xffff, v1  }
0x55: {  	s19 =	sshrl.u32 s19, $0x2;
	v1 =	vld [tilespmem:s20+$0xFFFFFFC0];
	[tilespmem:s21+$0x1020 ss:$0x81] =	vst.msk $0xffff, v5;
	s20 =	sadd.s32 $0x80, s20  }
0x56: {  	s23 =	simm.s32 $0x4;
	s24 =	simm.s32 $0x8;
	s19 =	sor.u32 $0x8000, s19;
	[tilespmem:s21+$0x1830 ss:$0x81] =	vst.msk $0xffff, v6;
	v0 =	vld [tilespmem:s20+$0x30]  }
.LBB1_3:
0x57: {  	p1 =	sne.s32 s24, $0x1FC;
	v5 =	vld [tilespmem:s20+$0xFFFFFFD0];
	[tilespmem:s21+$0x2040 ss:$0x81] =	vst.msk $0xffff, v4  }
0x58: {  	v6 =	vld [tilespmem:s20+$0xFFFFFFE0];
	[tilespmem:s21+$0x2850 ss:$0x81] =	vst.msk $0xffff, v3  }
0x59: {  	s25 =	sshra.s32 s23, $0x2;
	s23 =	smov.u32 s24;
	v7 =	vld [tilespmem:s20+$0xFFFFFFF0];
	[tilespmem:s21+$0x3060 ss:$0x81] =	vst.msk $0xffff, v2  }
.Ltmp3:
0x5a: {  	v4 =	vld [tilespmem:s20+$0x0];
	[tilespmem:s21+$0x0 ss:$0x81] =	vst.msk $0xffff, v1;
	s21 =	sadd.s32 s25, s22;
	(pc) =	sbr.rel @p1 .LBB1_3-.Ltmp3, $4  }
0x5b: {  	v3 =	vld [tilespmem:s20+$0x10];
	[tilespmem:s21+$0x3870 ss:$0x81] =	vst.msk $0xffff, v0  }
0x5c: {  	[tilespmem:s21+$0x810 ss:$0x81] =	vst.msk $0xffff, v5;
	v2 =	vld [tilespmem:s20+$0x20]  }
0x5d: {  	v1 =	vld [tilespmem:s20+$0xFFFFFFC0];
	[tilespmem:s21+$0x1020 ss:$0x81] =	vst.msk $0xffff, v6;
	s20 =	sadd.s32 $0x80, s20  }
0x5e: {  	s24 =	sadd.s32 $0x4, s24;
	v0 =	vld [tilespmem:s20+$0x30];
	[tilespmem:s21+$0x1830 ss:$0x81] =	vst.msk $0xffff, v7  }
.Ltmp4:
0x5f: {  	_ = 	snop;
	(pc) =	sbr.rel .LBB1_4-.Ltmp4, $1  }
0x60: {  	_ =	sdelay $0x3  }
.LBB1_6:
0x61: {  	_ =	sfence.sel $0x180000  }
0x62: {  	s2 =	simm.s32 $0x1;
	[bflag:$0x0] =	sbarrier.arrive $0xFFFF  }
0x63: {  	s31 =	simm.s32 $0x2;
	[sflag:s2] =	ssyncpa.u1 $0x1  }
0x64: {  	[sflag:s31] =	ssyncpa.u1 $0x1  }
0x65: {  	p0 =	sne.s32 s0, $0x0;
	_ =	strace $0x9000004A  }
0x66: {  	s0 =	sadd.s32 @!p0 $0x100000, s1;
	[bflag:$0x2] =	sbarrier.arrive $0xFFFF  }
0x67: {  	[sflag:s0] =	ssyncadd.tile.s32 @!p0 $0x1;
	_ =	shalt  }
.Lfunc_end1:
_tile_overlayer_lowered:
.L_overlay_start_2:
0x68: {  	(tag) =	ssettag $0x2  }
0x69: {  	s0 =	rddreg [dreg:$0x0];
	s2 =	stileid.u32  }
0x6a: {  	s1 =	rddreg [dreg:$0x1];
	p0 =	sne.s32 s2, $0x0  }
0x6b: {  	s3 =	rddreg [dreg:$0x2];
	[bflag:$0x3] =	sbarrier.arrive $0xFFFF;
	s2 =	simm.s32 @!p0 $0x1C01  }
0x6c: {  	[timem:s3], [sflag:s2] =	dma.local @!p0 [hbm:s0], s1  }
0x6d: {  	s0 =	simm.s32 @!p0 $0x1  }
0x6e: {  	_ =	swait.ge @!p0 [sflag:s0], s1  }
0x6f: {  	s1 =	ssub.s32 @!p0 $0x0, s1;
	[sflag:s0] =	ssyncset.done @!p0 $0x0  }
0x70: {  	[sflag:s0] =	ssyncadd.s32 @!p0 s1  }
0x71: {  	[bflag:$0x3] =	sbarrier.arrive $0xFFFF  }
0x72: {  	_ =	shalt  }

</sc_bundles>
